<compile_context>
chip_gen: v7x
topology: tpu7x:2x2x1
jax: 0.10.2.dev20260603
libtpu: 0.0.44.dev20260713+nightly
codegen_flags: <defaults>
</compile_context>

<pallas_src>
import functools

import jax
import jax.numpy as jnp
from jax import lax
from jax.experimental import pallas as pl
from jax.experimental.pallas import tpu as pltpu
from jax.experimental.pallas import tpu_sc as plsc

NBINS = 256
START = -15.0
STEP = 30.0 / 256.0
INV_STEP = 256.0 / 30.0
B, N, C = 1024, 100, 4
LANES = 16
BLK = 128


NSPLIT = 48


ROWW = NBINS * C


def _kde_body(rows_per_w, vT_hbm, wT_hbm, out, vv, wv, acc, sem1, sem2, sem3, semo):
    nc = 2
    wid = lax.axis_index("s") * nc + lax.axis_index("c")
    r0 = wid * rows_per_w
    c0 = (wid // 4) * BLK
    sub = (wid % 4) * rows_per_w

    cp1 = pltpu.async_copy(vT_hbm.at[:, pl.ds(c0, BLK)], vv, sem1)
    cp2 = pltpu.async_copy(wT_hbm.at[pl.ds(0, NSPLIT * C), pl.ds(c0, BLK)],
                           wv.at[pl.ds(0, NSPLIT * C)], sem2)
    cp3 = pltpu.async_copy(wT_hbm.at[pl.ds(NSPLIT * C, (N - NSPLIT) * C), pl.ds(c0, BLK)],
                           wv.at[pl.ds(NSPLIT * C, (N - NSPLIT) * C)], sem3)

    zeros = jnp.zeros((LANES,), jnp.float32)

    def zbody(i, _):
        base = i * (8 * LANES)
        for u in range(8):
            acc[pl.ds(base + u * LANES, LANES)] = zeros
        return 0

    lax.fori_loop(0, rows_per_w * ROWW // (8 * LANES), zbody, 0)

    cp1.wait()
    cp2.wait()

    iota = lax.iota(jnp.int32, LANES)

    def bin_of(v):
        t = (v - START) * INV_STEP
        j = t.astype(jnp.int32)
        e_lo = j.astype(jnp.float32) * STEP + START
        j = j - jnp.where(v < e_lo, 1, 0) + jnp.where(v >= e_lo + STEP, 1, 0)
        return jnp.minimum(jnp.maximum(j, 0), NBINS - 1)

    def make_nbody(g, unroll):
        rowbase = (g * LANES + iota) * ROWW
        lane0 = sub + g * LANES

        def nbody(i, _):
            n = i * unroll
            vs = [vv[n + u, pl.ds(lane0, LANES)] for u in range(unroll)]
            ws = [[wv[(n + u) * C + c, pl.ds(lane0, LANES)] for c in range(C)]
                  for u in range(unroll)]
            js = [bin_of(v) for v in vs]
            for u in range(unroll):
                j = js[u]
                base = rowbase + ((j & 128) << 2) + (j & 127)
                for c in range(C):
                    plsc.addupdate_scatter(acc, [base + c * 128], ws[u][c])
            return 0

        return nbody

    lax.fori_loop(0, NSPLIT // 4, make_nbody(0, 4), 0)
    cp3.wait()
    lax.fori_loop(NSPLIT // 4, N // 4, make_nbody(0, 4), 0)

    half = LANES * ROWW
    cpo = pltpu.async_copy(acc.at[pl.ds(0, half)],
                           out.at[pl.ds(r0 * ROWW, half)], semo)

    lax.fori_loop(0, N // 4, make_nbody(1, 4), 0)

    cpo.wait()
    pltpu.sync_copy(acc.at[pl.ds(half, half)],
                    out.at[pl.ds(r0 * ROWW + half, half)])


def kernel(value, weights):
    mesh = plsc.VectorSubcoreMesh(core_axis_name="c", subcore_axis_name="s")
    nworkers = mesh.num_cores * mesh.num_subcores
    rows_per_w = B // nworkers

    vT = value.T
    wT = jnp.transpose(weights, (1, 2, 0)).reshape(N * C, B)

    run = pl.kernel(
        functools.partial(_kde_body, rows_per_w),
        out_type=jax.ShapeDtypeStruct((B * NBINS * C,), jnp.float32),
        mesh=mesh,
        compiler_params=pltpu.CompilerParams(needs_layout_passes=False),
        scratch_types=[
            pltpu.VMEM((N, BLK), jnp.float32),
            pltpu.VMEM((N * C, BLK), jnp.float32),
            pltpu.VMEM((rows_per_w * NBINS * C,), jnp.float32),
            pltpu.SemaphoreType.DMA,
            pltpu.SemaphoreType.DMA,
            pltpu.SemaphoreType.DMA,
            pltpu.SemaphoreType.DMA,
        ],
    )
    h = run(vT, wT)
    x = h.reshape(B, 2, C, 128).transpose(0, 1, 3, 2)
    return x.reshape(B, NBINS, C)

# --- scband reference (transcript-rebuilt; emitter-appended) ---
"""Pipeline reference for scband-kdelayer-26542897889946 (READ-ONLY COPY).

The authoritative reference and input builder live on the scoring server;
editing this copy changes nothing except your own understanding.
"""

import jax, jax.numpy as jnp
import numpy as np

NBINS = 256
START = -15.0
END = 15.0
BW = 1e-12
ADD_OVERFLOW = True


def setup_inputs(seed: int = 0) -> dict:
    key = jax.random.key(seed)
    k1, k2 = jax.random.split(key)
    value = jax.random.normal(k1, (1024, 100), dtype=jnp.float32) * 4.0
    weights = jax.random.uniform(k2, (1024, 100, 4), dtype=jnp.float32)
    return {"value": value, "weights": weights}


def _kde_histogram(value, weight):
    # Flat (box) kernel KDE histogram, matching vtxops.KDEHistogram with
    # kernel='flat', bandwidth_hist=BW. The flat-kernel CDF evaluated at each
    # bin edge e is clip((e - v)/(2*bw) + 0.5, 0, 1); the mass deposited in a
    # bin is the CDF difference across its two edges, weighted per value.
    edges = jnp.linspace(START, END, NBINS + 1).astype(jnp.float32)  # [nbins+1]
    F = jnp.clip((edges[None, None, :] - value[:, :, None]) / (2.0 * BW) + 0.5, 0.0, 1.0)  # [B, N, nbins+1]
    per_bin = F[:, :, 1:] - F[:, :, :-1]  # [B, N, nbins]
    hist = jnp.einsum('bnk,bn->bk', per_bin, weight)  # [B, nbins]
    if ADD_OVERFLOW:
        under = jnp.sum(weight * F[:, :, 0], axis=1)          # mass below start
        over = jnp.sum(weight * (1.0 - F[:, :, -1]), axis=1)  # mass above end
        hist = hist.at[:, 0].add(under).at[:, -1].add(over)
    return hist


def reference(value, weights):
    # Mirrors the tf.unstack(weights, axis=2) loop: one KDE histogram per
    # weight channel, stacked on axis 2 -> [B, nbins, C].
    hists = []
    for c in range(weights.shape[2]):
        hists.append(_kde_histogram(value, weights[:, :, c]))
    if len(hists) == 1:
        return jnp.expand_dims(hists[0], axis=2)
    return jnp.stack(hists, axis=2)

if __name__ == "__main__":
    import jax
    _d = setup_inputs()
    print(jax.jit(kernel)(*tuple(_d.values())))

</pallas_src>

<mosaic_0001>
#map = affine_map<(d0, d1) -> (0, 0)>
#map1 = affine_map<(d0, d1) -> (0)>
module attributes {stable_mosaic.version = 14 : i64} {
  func.func @_kde_body(%arg0: i32, %arg1: i32, %arg2: memref<100x1024xf32, #tpu.memory_space<hbm>>, %arg3: memref<400x1024xf32, #tpu.memory_space<hbm>>, %arg4: memref<1048576xf32, #tpu.memory_space<hbm>>, %arg5: memref<100x128xf32, #tpu.memory_space<vmem>>, %arg6: memref<400x128xf32, #tpu.memory_space<vmem>>, %arg7: memref<32768xf32, #tpu.memory_space<vmem>>, %arg8: memref<!tpu.dma_semaphore, #tpu.memory_space<semaphore_mem>>, %arg9: memref<!tpu.dma_semaphore, #tpu.memory_space<semaphore_mem>>, %arg10: memref<!tpu.dma_semaphore, #tpu.memory_space<semaphore_mem>>, %arg11: memref<!tpu.dma_semaphore, #tpu.memory_space<semaphore_mem>>) attributes {dimension_semantics = [#tpu.dimension_semantics<core_parallel>, #tpu.dimension_semantics<subcore_parallel>], iteration_bounds = array<i64: 2, 16>, scalar_prefetch = 0 : i64, scratch_operands = 7 : i64, tpu.core_type = #tpu.core_type<sc_vector_subcore>, window_params = [{transform_indices = #map}, {transform_indices = #map}, {transform_indices = #map1}]} {
    %mul3A = arith.constant 2 : i32
    %mul3A_0 = arith.muli %arg1, %mul3A : i32
    %add3A = arith.addi %mul3A_0, %arg0 : i32
    %mul3A_1 = arith.constant 32 : i32
    %mul3A_2 = arith.muli %add3A, %mul3A_1 : i32
    %jit3A = arith.constant 4 : i32
    %div3A = arith.divsi %add3A, %jit3A : i32
    %sign3A = arith.constant 0 : i32
    %sign3A_3 = arith.cmpi sgt, %add3A, %sign3A : i32
    %sign3A_4 = arith.extui %sign3A_3 : i1 to i32
    %sign3A_5 = arith.constant 0 : i32
    %sign3A_6 = arith.cmpi slt, %add3A, %sign3A_5 : i32
    %sign3A_7 = arith.extui %sign3A_6 : i1 to i32
    %sign3A_8 = arith.subi %sign3A_4, %sign3A_7 : i32
    %sign3A_9 = arith.constant 0 : i32
    %sign3A_10 = arith.cmpi sgt, %jit3A, %sign3A_9 : i32
    %sign3A_11 = arith.extui %sign3A_10 : i1 to i32
    %sign3A_12 = arith.constant 0 : i32
    %sign3A_13 = arith.cmpi slt, %jit3A, %sign3A_12 : i32
    %sign3A_14 = arith.extui %sign3A_13 : i1 to i32
    %sign3A_15 = arith.subi %sign3A_11, %sign3A_14 : i32
    %ne3A = arith.cmpi ne, %sign3A_8, %sign3A_15 : i32
    %rem3A = arith.remsi %add3A, %jit3A : i32
    %ne3A_16 = arith.constant 0 : i32
    %ne3A_17 = arith.cmpi ne, %rem3A, %ne3A_16 : i32
    %and3A = arith.andi %ne3A, %ne3A_17 : i1
    %sub3A = arith.constant 1 : i32
    %sub3A_18 = arith.subi %div3A, %sub3A : i32
    %select_n3A = arith.select %and3A, %sub3A_18, %div3A : i32
    %mul3A_19 = arith.constant 128 : i32
    %mul3A_20 = arith.muli %select_n3A, %mul3A_19 : i32
    %jit3A_21 = arith.constant 4 : i32
    %eq3A = arith.constant 0 : i32
    %eq3A_22 = arith.cmpi eq, %jit3A_21, %eq3A : i32
    %jit3A_23 = arith.constant 1 : i32
    %select_n3A_24 = arith.select %eq3A_22, %jit3A_23, %jit3A_21 : i32
    %rem3A_25 = arith.remsi %add3A, %select_n3A_24 : i32
    %ne3A_26 = arith.constant 0 : i32
    %ne3A_27 = arith.cmpi ne, %rem3A_25, %ne3A_26 : i32
    %lt3A = arith.constant 0 : i32
    %lt3A_28 = arith.cmpi slt, %rem3A_25, %lt3A : i32
    %lt3A_29 = arith.constant 0 : i32
    %lt3A_30 = arith.cmpi slt, %select_n3A_24, %lt3A_29 : i32
    %ne3A_31 = arith.xori %lt3A_28, %lt3A_30 : i1
    %and3A_32 = arith.andi %ne3A_31, %ne3A_27 : i1
    %add3A_33 = arith.addi %rem3A_25, %select_n3A_24 : i32
    %select_n3A_34 = arith.select %and3A_32, %add3A_33, %rem3A_25 : i32
    %mul3A_35 = arith.constant 32 : i32
    %mul3A_36 = arith.muli %select_n3A_34, %mul3A_35 : i32
    %dma_start3A = arith.constant 0 : i32
    %dma_start3A_37 = tpu.memref_slice %arg2[%dma_start3A, %mul3A_20] : memref<100x1024xf32, #tpu.memory_space<hbm>> -> memref<100x128xf32, #tpu.memory_space<hbm>>
    %dma_start3A_38 = arith.constant 0 : i32
    %dma_start3A_39 = tpu.memref_slice %arg2[%dma_start3A_38, %mul3A_20] : memref<100x1024xf32, #tpu.memory_space<hbm>> -> memref<100x128xf32, #tpu.memory_space<hbm>>
    tpu.enqueue_dma source(%dma_start3A_39 : memref<100x128xf32, #tpu.memory_space<hbm>>) target(%arg5 : memref<100x128xf32, #tpu.memory_space<vmem>>) target_semaphore(%arg8 : memref<!tpu.dma_semaphore, #tpu.memory_space<semaphore_mem>>)
    %dma_start3A_40 = arith.constant 0 : i32
    %dma_start3A_41 = arith.constant 0 : i32
    %dma_start3A_42 = tpu.memref_slice %arg6[%dma_start3A_40, %dma_start3A_41] : memref<400x128xf32, #tpu.memory_space<vmem>> -> memref<192x128xf32, #tpu.memory_space<vmem>>
    %dma_start3A_43 = arith.constant 0 : i32
    %dma_start3A_44 = tpu.memref_slice %arg3[%dma_start3A_43, %mul3A_20] : memref<400x1024xf32, #tpu.memory_space<hbm>> -> memref<192x128xf32, #tpu.memory_space<hbm>>
    %dma_start3A_45 = arith.constant 0 : i32
    %dma_start3A_46 = arith.constant 0 : i32
    %dma_start3A_47 = tpu.memref_slice %arg6[%dma_start3A_45, %dma_start3A_46] : memref<400x128xf32, #tpu.memory_space<vmem>> -> memref<192x128xf32, #tpu.memory_space<vmem>>
    %dma_start3A_48 = arith.constant 0 : i32
    %dma_start3A_49 = tpu.memref_slice %arg3[%dma_start3A_48, %mul3A_20] : memref<400x1024xf32, #tpu.memory_space<hbm>> -> memref<192x128xf32, #tpu.memory_space<hbm>>
    tpu.enqueue_dma source(%dma_start3A_49 : memref<192x128xf32, #tpu.memory_space<hbm>>) target(%dma_start3A_47 : memref<192x128xf32, #tpu.memory_space<vmem>>) target_semaphore(%arg9 : memref<!tpu.dma_semaphore, #tpu.memory_space<semaphore_mem>>)
    %dma_start3A_50 = arith.constant 192 : i32
    %dma_start3A_51 = arith.constant 0 : i32
    %dma_start3A_52 = tpu.memref_slice %arg6[%dma_start3A_50, %dma_start3A_51] : memref<400x128xf32, #tpu.memory_space<vmem>> -> memref<208x128xf32, #tpu.memory_space<vmem>>
    %dma_start3A_53 = arith.constant 192 : i32
    %dma_start3A_54 = tpu.memref_slice %arg3[%dma_start3A_53, %mul3A_20] : memref<400x1024xf32, #tpu.memory_space<hbm>> -> memref<208x128xf32, #tpu.memory_space<hbm>>
    %dma_start3A_55 = arith.constant 192 : i32
    %dma_start3A_56 = arith.constant 0 : i32
    %dma_start3A_57 = tpu.memref_slice %arg6[%dma_start3A_55, %dma_start3A_56] : memref<400x128xf32, #tpu.memory_space<vmem>> -> memref<208x128xf32, #tpu.memory_space<vmem>>
    %dma_start3A_58 = arith.constant 192 : i32
    %dma_start3A_59 = tpu.memref_slice %arg3[%dma_start3A_58, %mul3A_20] : memref<400x1024xf32, #tpu.memory_space<hbm>> -> memref<208x128xf32, #tpu.memory_space<hbm>>
    tpu.enqueue_dma source(%dma_start3A_59 : memref<208x128xf32, #tpu.memory_space<hbm>>) target(%dma_start3A_57 : memref<208x128xf32, #tpu.memory_space<vmem>>) target_semaphore(%arg10 : memref<!tpu.dma_semaphore, #tpu.memory_space<semaphore_mem>>)
    %broadcast_in_dim3A = arith.constant 0.000000e+00 : f32
    %broadcast_in_dim3A_60 = vector.broadcast %broadcast_in_dim3A : f32 to vector<16xf32>
    %scan3A = arith.constant 0 : i32
    %scan3A_61 = arith.constant 0 : i32
    %scan3A_62 = arith.constant 256 : i32
    %scan3A_63 = arith.addi %scan3A_61, %scan3A_62 : i32
    %scan3A_64 = arith.constant 1 : i32
    %scan3A_65 = scf.for %scan3A_153 = %scan3A_61 to %scan3A_63 step %scan3A_64 iter_args(%scan3A_154 = %scan3A) -> (i32)  : i32 {
      %mul3A_155 = arith.constant 128 : i32
      %mul3A_156 = arith.muli %scan3A_153, %mul3A_155 : i32
      %add3A_157 = arith.constant 0 : i32
      %add3A_158 = arith.addi %mul3A_156, %add3A_157 : i32
      %swap3A = arith.index_cast %add3A_158 : i32 to index
      %swap3A_159 = tpu.vector_load %arg7[%swap3A] {strides = array<i32>} : memref<32768xf32, #tpu.memory_space<vmem>>, vector<16xf32>,
      tpu.vector_store %arg7[%swap3A], %broadcast_in_dim3A_60 {strides = array<i32>} : memref<32768xf32, #tpu.memory_space<vmem>>, vector<16xf32>,
      %add3A_160 = arith.constant 16 : i32
      %add3A_161 = arith.addi %mul3A_156, %add3A_160 : i32
      %swap3A_162 = arith.index_cast %add3A_161 : i32 to index
      %swap3A_163 = tpu.vector_load %arg7[%swap3A_162] {strides = array<i32>} : memref<32768xf32, #tpu.memory_space<vmem>>, vector<16xf32>,
      tpu.vector_store %arg7[%swap3A_162], %broadcast_in_dim3A_60 {strides = array<i32>} : memref<32768xf32, #tpu.memory_space<vmem>>, vector<16xf32>,
      %add3A_164 = arith.constant 32 : i32
      %add3A_165 = arith.addi %mul3A_156, %add3A_164 : i32
      %swap3A_166 = arith.index_cast %add3A_165 : i32 to index
      %swap3A_167 = tpu.vector_load %arg7[%swap3A_166] {strides = array<i32>} : memref<32768xf32, #tpu.memory_space<vmem>>, vector<16xf32>,
      tpu.vector_store %arg7[%swap3A_166], %broadcast_in_dim3A_60 {strides = array<i32>} : memref<32768xf32, #tpu.memory_space<vmem>>, vector<16xf32>,
      %add3A_168 = arith.constant 48 : i32
      %add3A_169 = arith.addi %mul3A_156, %add3A_168 : i32
      %swap3A_170 = arith.index_cast %add3A_169 : i32 to index
      %swap3A_171 = tpu.vector_load %arg7[%swap3A_170] {strides = array<i32>} : memref<32768xf32, #tpu.memory_space<vmem>>, vector<16xf32>,
      tpu.vector_store %arg7[%swap3A_170], %broadcast_in_dim3A_60 {strides = array<i32>} : memref<32768xf32, #tpu.memory_space<vmem>>, vector<16xf32>,
      %add3A_172 = arith.constant 64 : i32
      %add3A_173 = arith.addi %mul3A_156, %add3A_172 : i32
      %swap3A_174 = arith.index_cast %add3A_173 : i32 to index
      %swap3A_175 = tpu.vector_load %arg7[%swap3A_174] {strides = array<i32>} : memref<32768xf32, #tpu.memory_space<vmem>>, vector<16xf32>,
      tpu.vector_store %arg7[%swap3A_174], %broadcast_in_dim3A_60 {strides = array<i32>} : memref<32768xf32, #tpu.memory_space<vmem>>, vector<16xf32>,
      %add3A_176 = arith.constant 80 : i32
      %add3A_177 = arith.addi %mul3A_156, %add3A_176 : i32
      %swap3A_178 = arith.index_cast %add3A_177 : i32 to index
      %swap3A_179 = tpu.vector_load %arg7[%swap3A_178] {strides = array<i32>} : memref<32768xf32, #tpu.memory_space<vmem>>, vector<16xf32>,
      tpu.vector_store %arg7[%swap3A_178], %broadcast_in_dim3A_60 {strides = array<i32>} : memref<32768xf32, #tpu.memory_space<vmem>>, vector<16xf32>,
      %add3A_180 = arith.constant 96 : i32
      %add3A_181 = arith.addi %mul3A_156, %add3A_180 : i32
      %swap3A_182 = arith.index_cast %add3A_181 : i32 to index
      %swap3A_183 = tpu.vector_load %arg7[%swap3A_182] {strides = array<i32>} : memref<32768xf32, #tpu.memory_space<vmem>>, vector<16xf32>,
      tpu.vector_store %arg7[%swap3A_182], %broadcast_in_dim3A_60 {strides = array<i32>} : memref<32768xf32, #tpu.memory_space<vmem>>, vector<16xf32>,
      %add3A_184 = arith.constant 112 : i32
      %add3A_185 = arith.addi %mul3A_156, %add3A_184 : i32
      %swap3A_186 = arith.index_cast %add3A_185 : i32 to index
      %swap3A_187 = tpu.vector_load %arg7[%swap3A_186] {strides = array<i32>} : memref<32768xf32, #tpu.memory_space<vmem>>, vector<16xf32>,
      tpu.vector_store %arg7[%swap3A_186], %broadcast_in_dim3A_60 {strides = array<i32>} : memref<32768xf32, #tpu.memory_space<vmem>>, vector<16xf32>,
      %scan3A_188 = arith.constant 0 : i32
      scf.yield %scan3A_188 : i32
    }
    %scan3A_66 = arith.constant 256 : i32
    %dma_wait3A = arith.constant 0 : i32
    %dma_wait3A_67 = tpu.memref_slice %arg2[%dma_wait3A, %mul3A_20] : memref<100x1024xf32, #tpu.memory_space<hbm>> -> memref<100x128xf32, #tpu.memory_space<hbm>>
    %dma_wait3A_68 = arith.constant 0 : i32
    %dma_wait3A_69 = tpu.memref_slice %arg2[%dma_wait3A_68, %mul3A_20] : memref<100x1024xf32, #tpu.memory_space<hbm>> -> memref<100x128xf32, #tpu.memory_space<hbm>>
    tpu.wait_dma2 semaphore(%arg8 : memref<!tpu.dma_semaphore, #tpu.memory_space<semaphore_mem>>) src(%dma_wait3A_69 : memref<100x128xf32, #tpu.memory_space<hbm>>) dst(%arg5 : memref<100x128xf32, #tpu.memory_space<vmem>>)
    %dma_wait3A_70 = arith.constant 0 : i32
    %dma_wait3A_71 = arith.constant 0 : i32
    %dma_wait3A_72 = tpu.memref_slice %arg6[%dma_wait3A_70, %dma_wait3A_71] : memref<400x128xf32, #tpu.memory_space<vmem>> -> memref<192x128xf32, #tpu.memory_space<vmem>>
    %dma_wait3A_73 = arith.constant 0 : i32
    %dma_wait3A_74 = tpu.memref_slice %arg3[%dma_wait3A_73, %mul3A_20] : memref<400x1024xf32, #tpu.memory_space<hbm>> -> memref<192x128xf32, #tpu.memory_space<hbm>>
    %dma_wait3A_75 = arith.constant 0 : i32
    %dma_wait3A_76 = arith.constant 0 : i32
    %dma_wait3A_77 = tpu.memref_slice %arg6[%dma_wait3A_75, %dma_wait3A_76] : memref<400x128xf32, #tpu.memory_space<vmem>> -> memref<192x128xf32, #tpu.memory_space<vmem>>
    %dma_wait3A_78 = arith.constant 0 : i32
    %dma_wait3A_79 = tpu.memref_slice %arg3[%dma_wait3A_78, %mul3A_20] : memref<400x1024xf32, #tpu.memory_space<hbm>> -> memref<192x128xf32, #tpu.memory_space<hbm>>
    tpu.wait_dma2 semaphore(%arg9 : memref<!tpu.dma_semaphore, #tpu.memory_space<semaphore_mem>>) src(%dma_wait3A_79 : memref<192x128xf32, #tpu.memory_space<hbm>>) dst(%dma_wait3A_77 : memref<192x128xf32, #tpu.memory_space<vmem>>)
    %iota3A = tpu.iota {dimensions = array<i32: 0>} : vector<16xi32>
    %add3A_80 = arith.constant 0 : i32
    %add3A_81 = vector.broadcast %add3A_80 : i32 to vector<16xi32>
    %add3A_82 = arith.addi %add3A_81, %iota3A : vector<16xi32>
    %mul3A_83 = arith.constant 1024 : i32
    %mul3A_84 = vector.broadcast %mul3A_83 : i32 to vector<16xi32>
    %mul3A_85 = arith.muli %add3A_82, %mul3A_84 : vector<16xi32>
    %add3A_86 = arith.constant 0 : i32
    %add3A_87 = arith.addi %mul3A_36, %add3A_86 : i32
    %scan3A_88 = arith.constant 0 : i32
    %scan3A_89 = arith.constant 0 : i32
    %scan3A_90 = arith.constant 12 : i32
    %scan3A_91 = arith.addi %scan3A_89, %scan3A_90 : i32
    %scan3A_92 = arith.constant 1 : i32
    %scan3A_93 = scf.for %scan3A_153 = %scan3A_89 to %scan3A_91 step %scan3A_92 iter_args(%scan3A_154 = %scan3A_88) -> (i32)  : i32 {
      %mul3A_155 = arith.constant 4 : i32
      %mul3A_156 = arith.muli %scan3A_153, %mul3A_155 : i32
      %add3A_157 = arith.constant 0 : i32
      %add3A_158 = arith.addi %mul3A_156, %add3A_157 : i32
      %get3A = arith.index_cast %add3A_158 : i32 to index
      %get3A_159 = arith.index_cast %add3A_87 : i32 to index
      %get3A_160 = tpu.vector_load %arg5[%get3A, %get3A_159] {strides = array<i32>} : memref<100x128xf32, #tpu.memory_space<vmem>>, vector<16xf32>,
      %add3A_161 = arith.constant 1 : i32
      %add3A_162 = arith.addi %mul3A_156, %add3A_161 : i32
      %get3A_163 = arith.index_cast %add3A_162 : i32 to index
      %get3A_164 = arith.index_cast %add3A_87 : i32 to index
      %get3A_165 = tpu.vector_load %arg5[%get3A_163, %get3A_164] {strides = array<i32>} : memref<100x128xf32, #tpu.memory_space<vmem>>, vector<16xf32>,
      %add3A_166 = arith.constant 2 : i32
      %add3A_167 = arith.addi %mul3A_156, %add3A_166 : i32
      %get3A_168 = arith.index_cast %add3A_167 : i32 to index
      %get3A_169 = arith.index_cast %add3A_87 : i32 to index
      %get3A_170 = tpu.vector_load %arg5[%get3A_168, %get3A_169] {strides = array<i32>} : memref<100x128xf32, #tpu.memory_space<vmem>>, vector<16xf32>,
      %add3A_171 = arith.constant 3 : i32
      %add3A_172 = arith.addi %mul3A_156, %add3A_171 : i32
      %get3A_173 = arith.index_cast %add3A_172 : i32 to index
      %get3A_174 = arith.index_cast %add3A_87 : i32 to index
      %get3A_175 = tpu.vector_load %arg5[%get3A_173, %get3A_174] {strides = array<i32>} : memref<100x128xf32, #tpu.memory_space<vmem>>, vector<16xf32>,
      %add3A_176 = arith.constant 0 : i32
      %add3A_177 = arith.addi %mul3A_156, %add3A_176 : i32
      %mul3A_178 = arith.constant 4 : i32
      %mul3A_179 = arith.muli %add3A_177, %mul3A_178 : i32
      %add3A_180 = arith.constant 0 : i32
      %add3A_181 = arith.addi %mul3A_179, %add3A_180 : i32
      %get3A_182 = arith.index_cast %add3A_181 : i32 to index
      %get3A_183 = arith.index_cast %add3A_87 : i32 to index
      %get3A_184 = tpu.vector_load %arg6[%get3A_182, %get3A_183] {strides = array<i32>} : memref<400x128xf32, #tpu.memory_space<vmem>>, vector<16xf32>,
      %add3A_185 = arith.constant 0 : i32
      %add3A_186 = arith.addi %mul3A_156, %add3A_185 : i32
      %mul3A_187 = arith.constant 4 : i32
      %mul3A_188 = arith.muli %add3A_186, %mul3A_187 : i32
      %add3A_189 = arith.constant 1 : i32
      %add3A_190 = arith.addi %mul3A_188, %add3A_189 : i32
      %get3A_191 = arith.index_cast %add3A_190 : i32 to index
      %get3A_192 = arith.index_cast %add3A_87 : i32 to index
      %get3A_193 = tpu.vector_load %arg6[%get3A_191, %get3A_192] {strides = array<i32>} : memref<400x128xf32, #tpu.memory_space<vmem>>, vector<16xf32>,
      %add3A_194 = arith.constant 0 : i32
      %add3A_195 = arith.addi %mul3A_156, %add3A_194 : i32
      %mul3A_196 = arith.constant 4 : i32
      %mul3A_197 = arith.muli %add3A_195, %mul3A_196 : i32
      %add3A_198 = arith.constant 2 : i32
      %add3A_199 = arith.addi %mul3A_197, %add3A_198 : i32
      %get3A_200 = arith.index_cast %add3A_199 : i32 to index
      %get3A_201 = arith.index_cast %add3A_87 : i32 to index
      %get3A_202 = tpu.vector_load %arg6[%get3A_200, %get3A_201] {strides = array<i32>} : memref<400x128xf32, #tpu.memory_space<vmem>>, vector<16xf32>,
      %add3A_203 = arith.constant 0 : i32
      %add3A_204 = arith.addi %mul3A_156, %add3A_203 : i32
      %mul3A_205 = arith.constant 4 : i32
      %mul3A_206 = arith.muli %add3A_204, %mul3A_205 : i32
      %add3A_207 = arith.constant 3 : i32
      %add3A_208 = arith.addi %mul3A_206, %add3A_207 : i32
      %get3A_209 = arith.index_cast %add3A_208 : i32 to index
      %get3A_210 = arith.index_cast %add3A_87 : i32 to index
      %get3A_211 = tpu.vector_load %arg6[%get3A_209, %get3A_210] {strides = array<i32>} : memref<400x128xf32, #tpu.memory_space<vmem>>, vector<16xf32>,
      %add3A_212 = arith.constant 1 : i32
      %add3A_213 = arith.addi %mul3A_156, %add3A_212 : i32
      %mul3A_214 = arith.constant 4 : i32
      %mul3A_215 = arith.muli %add3A_213, %mul3A_214 : i32
      %add3A_216 = arith.constant 0 : i32
      %add3A_217 = arith.addi %mul3A_215, %add3A_216 : i32
      %get3A_218 = arith.index_cast %add3A_217 : i32 to index
      %get3A_219 = arith.index_cast %add3A_87 : i32 to index
      %get3A_220 = tpu.vector_load %arg6[%get3A_218, %get3A_219] {strides = array<i32>} : memref<400x128xf32, #tpu.memory_space<vmem>>, vector<16xf32>,
      %add3A_221 = arith.constant 1 : i32
      %add3A_222 = arith.addi %mul3A_156, %add3A_221 : i32
      %mul3A_223 = arith.constant 4 : i32
      %mul3A_224 = arith.muli %add3A_222, %mul3A_223 : i32
      %add3A_225 = arith.constant 1 : i32
      %add3A_226 = arith.addi %mul3A_224, %add3A_225 : i32
      %get3A_227 = arith.index_cast %add3A_226 : i32 to index
      %get3A_228 = arith.index_cast %add3A_87 : i32 to index
      %get3A_229 = tpu.vector_load %arg6[%get3A_227, %get3A_228] {strides = array<i32>} : memref<400x128xf32, #tpu.memory_space<vmem>>, vector<16xf32>,
      %add3A_230 = arith.constant 1 : i32
      %add3A_231 = arith.addi %mul3A_156, %add3A_230 : i32
      %mul3A_232 = arith.constant 4 : i32
      %mul3A_233 = arith.muli %add3A_231, %mul3A_232 : i32
      %add3A_234 = arith.constant 2 : i32
      %add3A_235 = arith.addi %mul3A_233, %add3A_234 : i32
      %get3A_236 = arith.index_cast %add3A_235 : i32 to index
      %get3A_237 = arith.index_cast %add3A_87 : i32 to index
      %get3A_238 = tpu.vector_load %arg6[%get3A_236, %get3A_237] {strides = array<i32>} : memref<400x128xf32, #tpu.memory_space<vmem>>, vector<16xf32>,
      %add3A_239 = arith.constant 1 : i32
      %add3A_240 = arith.addi %mul3A_156, %add3A_239 : i32
      %mul3A_241 = arith.constant 4 : i32
      %mul3A_242 = arith.muli %add3A_240, %mul3A_241 : i32
      %add3A_243 = arith.constant 3 : i32
      %add3A_244 = arith.addi %mul3A_242, %add3A_243 : i32
      %get3A_245 = arith.index_cast %add3A_244 : i32 to index
      %get3A_246 = arith.index_cast %add3A_87 : i32 to index
      %get3A_247 = tpu.vector_load %arg6[%get3A_245, %get3A_246] {strides = array<i32>} : memref<400x128xf32, #tpu.memory_space<vmem>>, vector<16xf32>,
      %add3A_248 = arith.constant 2 : i32
      %add3A_249 = arith.addi %mul3A_156, %add3A_248 : i32
      %mul3A_250 = arith.constant 4 : i32
      %mul3A_251 = arith.muli %add3A_249, %mul3A_250 : i32
      %add3A_252 = arith.constant 0 : i32
      %add3A_253 = arith.addi %mul3A_251, %add3A_252 : i32
      %get3A_254 = arith.index_cast %add3A_253 : i32 to index
      %get3A_255 = arith.index_cast %add3A_87 : i32 to index
      %get3A_256 = tpu.vector_load %arg6[%get3A_254, %get3A_255] {strides = array<i32>} : memref<400x128xf32, #tpu.memory_space<vmem>>, vector<16xf32>,
      %add3A_257 = arith.constant 2 : i32
      %add3A_258 = arith.addi %mul3A_156, %add3A_257 : i32
      %mul3A_259 = arith.constant 4 : i32
      %mul3A_260 = arith.muli %add3A_258, %mul3A_259 : i32
      %add3A_261 = arith.constant 1 : i32
      %add3A_262 = arith.addi %mul3A_260, %add3A_261 : i32
      %get3A_263 = arith.index_cast %add3A_262 : i32 to index
      %get3A_264 = arith.index_cast %add3A_87 : i32 to index
      %get3A_265 = tpu.vector_load %arg6[%get3A_263, %get3A_264] {strides = array<i32>} : memref<400x128xf32, #tpu.memory_space<vmem>>, vector<16xf32>,
      %add3A_266 = arith.constant 2 : i32
      %add3A_267 = arith.addi %mul3A_156, %add3A_266 : i32
      %mul3A_268 = arith.constant 4 : i32
      %mul3A_269 = arith.muli %add3A_267, %mul3A_268 : i32
      %add3A_270 = arith.constant 2 : i32
      %add3A_271 = arith.addi %mul3A_269, %add3A_270 : i32
      %get3A_272 = arith.index_cast %add3A_271 : i32 to index
      %get3A_273 = arith.index_cast %add3A_87 : i32 to index
      %get3A_274 = tpu.vector_load %arg6[%get3A_272, %get3A_273] {strides = array<i32>} : memref<400x128xf32, #tpu.memory_space<vmem>>, vector<16xf32>,
      %add3A_275 = arith.constant 2 : i32
      %add3A_276 = arith.addi %mul3A_156, %add3A_275 : i32
      %mul3A_277 = arith.constant 4 : i32
      %mul3A_278 = arith.muli %add3A_276, %mul3A_277 : i32
      %add3A_279 = arith.constant 3 : i32
      %add3A_280 = arith.addi %mul3A_278, %add3A_279 : i32
      %get3A_281 = arith.index_cast %add3A_280 : i32 to index
      %get3A_282 = arith.index_cast %add3A_87 : i32 to index
      %get3A_283 = tpu.vector_load %arg6[%get3A_281, %get3A_282] {strides = array<i32>} : memref<400x128xf32, #tpu.memory_space<vmem>>, vector<16xf32>,
      %add3A_284 = arith.constant 3 : i32
      %add3A_285 = arith.addi %mul3A_156, %add3A_284 : i32
      %mul3A_286 = arith.constant 4 : i32
      %mul3A_287 = arith.muli %add3A_285, %mul3A_286 : i32
      %add3A_288 = arith.constant 0 : i32
      %add3A_289 = arith.addi %mul3A_287, %add3A_288 : i32
      %get3A_290 = arith.index_cast %add3A_289 : i32 to index
      %get3A_291 = arith.index_cast %add3A_87 : i32 to index
      %get3A_292 = tpu.vector_load %arg6[%get3A_290, %get3A_291] {strides = array<i32>} : memref<400x128xf32, #tpu.memory_space<vmem>>, vector<16xf32>,
      %add3A_293 = arith.constant 3 : i32
      %add3A_294 = arith.addi %mul3A_156, %add3A_293 : i32
      %mul3A_295 = arith.constant 4 : i32
      %mul3A_296 = arith.muli %add3A_294, %mul3A_295 : i32
      %add3A_297 = arith.constant 1 : i32
      %add3A_298 = arith.addi %mul3A_296, %add3A_297 : i32
      %get3A_299 = arith.index_cast %add3A_298 : i32 to index
      %get3A_300 = arith.index_cast %add3A_87 : i32 to index
      %get3A_301 = tpu.vector_load %arg6[%get3A_299, %get3A_300] {strides = array<i32>} : memref<400x128xf32, #tpu.memory_space<vmem>>, vector<16xf32>,
      %add3A_302 = arith.constant 3 : i32
      %add3A_303 = arith.addi %mul3A_156, %add3A_302 : i32
      %mul3A_304 = arith.constant 4 : i32
      %mul3A_305 = arith.muli %add3A_303, %mul3A_304 : i32
      %add3A_306 = arith.constant 2 : i32
      %add3A_307 = arith.addi %mul3A_305, %add3A_306 : i32
      %get3A_308 = arith.index_cast %add3A_307 : i32 to index
      %get3A_309 = arith.index_cast %add3A_87 : i32 to index
      %get3A_310 = tpu.vector_load %arg6[%get3A_308, %get3A_309] {strides = array<i32>} : memref<400x128xf32, #tpu.memory_space<vmem>>, vector<16xf32>,
      %add3A_311 = arith.constant 3 : i32
      %add3A_312 = arith.addi %mul3A_156, %add3A_311 : i32
      %mul3A_313 = arith.constant 4 : i32
      %mul3A_314 = arith.muli %add3A_312, %mul3A_313 : i32
      %add3A_315 = arith.constant 3 : i32
      %add3A_316 = arith.addi %mul3A_314, %add3A_315 : i32
      %get3A_317 = arith.index_cast %add3A_316 : i32 to index
      %get3A_318 = arith.index_cast %add3A_87 : i32 to index
      %get3A_319 = tpu.vector_load %arg6[%get3A_317, %get3A_318] {strides = array<i32>} : memref<400x128xf32, #tpu.memory_space<vmem>>, vector<16xf32>,
      %sub3A_320 = arith.constant -1.500000e+01 : f32
      %sub3A_321 = vector.broadcast %sub3A_320 : f32 to vector<16xf32>
      %sub3A_322 = arith.subf %get3A_160, %sub3A_321 : vector<16xf32>
      %mul3A_323 = arith.constant 8.53333377 : f32
      %mul3A_324 = vector.broadcast %mul3A_323 : f32 to vector<16xf32>
      %mul3A_325 = arith.mulf %sub3A_322, %mul3A_324 : vector<16xf32>
      %convert_element_type3A = arith.fptosi %mul3A_325 : vector<16xf32> to vector<16xi32>
      %convert_element_type3A_326 = arith.sitofp %convert_element_type3A : vector<16xi32> to vector<16xf32>
      %mul3A_327 = arith.constant 0.1171875 : f32
      %mul3A_328 = vector.broadcast %mul3A_327 : f32 to vector<16xf32>
      %mul3A_329 = arith.mulf %convert_element_type3A_326, %mul3A_328 : vector<16xf32>
      %add3A_330 = arith.constant -1.500000e+01 : f32
      %add3A_331 = vector.broadcast %add3A_330 : f32 to vector<16xf32>
      %add3A_332 = arith.addf %mul3A_329, %add3A_331 : vector<16xf32>
      %lt3A_333 = arith.cmpf olt, %get3A_160, %add3A_332 : vector<16xf32>
      %jit3A_334 = arith.constant 1 : i32
      %jit3A_335 = arith.constant 0 : i32
      %broadcast_in_dim3A_336 = vector.broadcast %jit3A_334 : i32 to vector<16xi32>
      %broadcast_in_dim3A_337 = vector.broadcast %jit3A_335 : i32 to vector<16xi32>
      %select_n3A_338 = arith.select %lt3A_333, %broadcast_in_dim3A_336, %broadcast_in_dim3A_337 : vector<16xi1>, vector<16xi32>
      %sub3A_339 = arith.subi %convert_element_type3A, %select_n3A_338 : vector<16xi32>
      %add3A_340 = arith.constant 0.1171875 : f32
      %add3A_341 = vector.broadcast %add3A_340 : f32 to vector<16xf32>
      %add3A_342 = arith.addf %add3A_332, %add3A_341 : vector<16xf32>
      %ge3A = arith.cmpf oge, %get3A_160, %add3A_342 : vector<16xf32>
      %jit3A_343 = arith.constant 1 : i32
      %jit3A_344 = arith.constant 0 : i32
      %broadcast_in_dim3A_345 = vector.broadcast %jit3A_343 : i32 to vector<16xi32>
      %broadcast_in_dim3A_346 = vector.broadcast %jit3A_344 : i32 to vector<16xi32>
      %select_n3A_347 = arith.select %ge3A, %broadcast_in_dim3A_345, %broadcast_in_dim3A_346 : vector<16xi1>, vector<16xi32>
      %add3A_348 = arith.addi %sub3A_339, %select_n3A_347 : vector<16xi32>
      %max3A = arith.constant 0 : i32
      %max3A_349 = vector.broadcast %max3A : i32 to vector<16xi32>
      %max3A_350 = arith.maxsi %add3A_348, %max3A_349 : vector<16xi32>
      %min3A = arith.constant 255 : i32
      %min3A_351 = vector.broadcast %min3A : i32 to vector<16xi32>
      %min3A_352 = arith.minsi %max3A_350, %min3A_351 : vector<16xi32>
      %sub3A_353 = arith.constant -1.500000e+01 : f32
      %sub3A_354 = vector.broadcast %sub3A_353 : f32 to vector<16xf32>
      %sub3A_355 = arith.subf %get3A_165, %sub3A_354 : vector<16xf32>
      %mul3A_356 = arith.constant 8.53333377 : f32
      %mul3A_357 = vector.broadcast %mul3A_356 : f32 to vector<16xf32>
      %mul3A_358 = arith.mulf %sub3A_355, %mul3A_357 : vector<16xf32>
      %convert_element_type3A_359 = arith.fptosi %mul3A_358 : vector<16xf32> to vector<16xi32>
      %convert_element_type3A_360 = arith.sitofp %convert_element_type3A_359 : vector<16xi32> to vector<16xf32>
      %mul3A_361 = arith.constant 0.1171875 : f32
      %mul3A_362 = vector.broadcast %mul3A_361 : f32 to vector<16xf32>
      %mul3A_363 = arith.mulf %convert_element_type3A_360, %mul3A_362 : vector<16xf32>
      %add3A_364 = arith.constant -1.500000e+01 : f32
      %add3A_365 = vector.broadcast %add3A_364 : f32 to vector<16xf32>
      %add3A_366 = arith.addf %mul3A_363, %add3A_365 : vector<16xf32>
      %lt3A_367 = arith.cmpf olt, %get3A_165, %add3A_366 : vector<16xf32>
      %jit3A_368 = arith.constant 1 : i32
      %jit3A_369 = arith.constant 0 : i32
      %broadcast_in_dim3A_370 = vector.broadcast %jit3A_368 : i32 to vector<16xi32>
      %broadcast_in_dim3A_371 = vector.broadcast %jit3A_369 : i32 to vector<16xi32>
      %select_n3A_372 = arith.select %lt3A_367, %broadcast_in_dim3A_370, %broadcast_in_dim3A_371 : vector<16xi1>, vector<16xi32>
      %sub3A_373 = arith.subi %convert_element_type3A_359, %select_n3A_372 : vector<16xi32>
      %add3A_374 = arith.constant 0.1171875 : f32
      %add3A_375 = vector.broadcast %add3A_374 : f32 to vector<16xf32>
      %add3A_376 = arith.addf %add3A_366, %add3A_375 : vector<16xf32>
      %ge3A_377 = arith.cmpf oge, %get3A_165, %add3A_376 : vector<16xf32>
      %jit3A_378 = arith.constant 1 : i32
      %jit3A_379 = arith.constant 0 : i32
      %broadcast_in_dim3A_380 = vector.broadcast %jit3A_378 : i32 to vector<16xi32>
      %broadcast_in_dim3A_381 = vector.broadcast %jit3A_379 : i32 to vector<16xi32>
      %select_n3A_382 = arith.select %ge3A_377, %broadcast_in_dim3A_380, %broadcast_in_dim3A_381 : vector<16xi1>, vector<16xi32>
      %add3A_383 = arith.addi %sub3A_373, %select_n3A_382 : vector<16xi32>
      %max3A_384 = arith.constant 0 : i32
      %max3A_385 = vector.broadcast %max3A_384 : i32 to vector<16xi32>
      %max3A_386 = arith.maxsi %add3A_383, %max3A_385 : vector<16xi32>
      %min3A_387 = arith.constant 255 : i32
      %min3A_388 = vector.broadcast %min3A_387 : i32 to vector<16xi32>
      %min3A_389 = arith.minsi %max3A_386, %min3A_388 : vector<16xi32>
      %sub3A_390 = arith.constant -1.500000e+01 : f32
      %sub3A_391 = vector.broadcast %sub3A_390 : f32 to vector<16xf32>
      %sub3A_392 = arith.subf %get3A_170, %sub3A_391 : vector<16xf32>
      %mul3A_393 = arith.constant 8.53333377 : f32
      %mul3A_394 = vector.broadcast %mul3A_393 : f32 to vector<16xf32>
      %mul3A_395 = arith.mulf %sub3A_392, %mul3A_394 : vector<16xf32>
      %convert_element_type3A_396 = arith.fptosi %mul3A_395 : vector<16xf32> to vector<16xi32>
      %convert_element_type3A_397 = arith.sitofp %convert_element_type3A_396 : vector<16xi32> to vector<16xf32>
      %mul3A_398 = arith.constant 0.1171875 : f32
      %mul3A_399 = vector.broadcast %mul3A_398 : f32 to vector<16xf32>
      %mul3A_400 = arith.mulf %convert_element_type3A_397, %mul3A_399 : vector<16xf32>
      %add3A_401 = arith.constant -1.500000e+01 : f32
      %add3A_402 = vector.broadcast %add3A_401 : f32 to vector<16xf32>
      %add3A_403 = arith.addf %mul3A_400, %add3A_402 : vector<16xf32>
      %lt3A_404 = arith.cmpf olt, %get3A_170, %add3A_403 : vector<16xf32>
      %jit3A_405 = arith.constant 1 : i32
      %jit3A_406 = arith.constant 0 : i32
      %broadcast_in_dim3A_407 = vector.broadcast %jit3A_405 : i32 to vector<16xi32>
      %broadcast_in_dim3A_408 = vector.broadcast %jit3A_406 : i32 to vector<16xi32>
      %select_n3A_409 = arith.select %lt3A_404, %broadcast_in_dim3A_407, %broadcast_in_dim3A_408 : vector<16xi1>, vector<16xi32>
      %sub3A_410 = arith.subi %convert_element_type3A_396, %select_n3A_409 : vector<16xi32>
      %add3A_411 = arith.constant 0.1171875 : f32
      %add3A_412 = vector.broadcast %add3A_411 : f32 to vector<16xf32>
      %add3A_413 = arith.addf %add3A_403, %add3A_412 : vector<16xf32>
      %ge3A_414 = arith.cmpf oge, %get3A_170, %add3A_413 : vector<16xf32>
      %jit3A_415 = arith.constant 1 : i32
      %jit3A_416 = arith.constant 0 : i32
      %broadcast_in_dim3A_417 = vector.broadcast %jit3A_415 : i32 to vector<16xi32>
      %broadcast_in_dim3A_418 = vector.broadcast %jit3A_416 : i32 to vector<16xi32>
      %select_n3A_419 = arith.select %ge3A_414, %broadcast_in_dim3A_417, %broadcast_in_dim3A_418 : vector<16xi1>, vector<16xi32>
      %add3A_420 = arith.addi %sub3A_410, %select_n3A_419 : vector<16xi32>
      %max3A_421 = arith.constant 0 : i32
      %max3A_422 = vector.broadcast %max3A_421 : i32 to vector<16xi32>
      %max3A_423 = arith.maxsi %add3A_420, %max3A_422 : vector<16xi32>
      %min3A_424 = arith.constant 255 : i32
      %min3A_425 = vector.broadcast %min3A_424 : i32 to vector<16xi32>
      %min3A_426 = arith.minsi %max3A_423, %min3A_425 : vector<16xi32>
      %sub3A_427 = arith.constant -1.500000e+01 : f32
      %sub3A_428 = vector.broadcast %sub3A_427 : f32 to vector<16xf32>
      %sub3A_429 = arith.subf %get3A_175, %sub3A_428 : vector<16xf32>
      %mul3A_430 = arith.constant 8.53333377 : f32
      %mul3A_431 = vector.broadcast %mul3A_430 : f32 to vector<16xf32>
      %mul3A_432 = arith.mulf %sub3A_429, %mul3A_431 : vector<16xf32>
      %convert_element_type3A_433 = arith.fptosi %mul3A_432 : vector<16xf32> to vector<16xi32>
      %convert_element_type3A_434 = arith.sitofp %convert_element_type3A_433 : vector<16xi32> to vector<16xf32>
      %mul3A_435 = arith.constant 0.1171875 : f32
      %mul3A_436 = vector.broadcast %mul3A_435 : f32 to vector<16xf32>
      %mul3A_437 = arith.mulf %convert_element_type3A_434, %mul3A_436 : vector<16xf32>
      %add3A_438 = arith.constant -1.500000e+01 : f32
      %add3A_439 = vector.broadcast %add3A_438 : f32 to vector<16xf32>
      %add3A_440 = arith.addf %mul3A_437, %add3A_439 : vector<16xf32>
      %lt3A_441 = arith.cmpf olt, %get3A_175, %add3A_440 : vector<16xf32>
      %jit3A_442 = arith.constant 1 : i32
      %jit3A_443 = arith.constant 0 : i32
      %broadcast_in_dim3A_444 = vector.broadcast %jit3A_442 : i32 to vector<16xi32>
      %broadcast_in_dim3A_445 = vector.broadcast %jit3A_443 : i32 to vector<16xi32>
      %select_n3A_446 = arith.select %lt3A_441, %broadcast_in_dim3A_444, %broadcast_in_dim3A_445 : vector<16xi1>, vector<16xi32>
      %sub3A_447 = arith.subi %convert_element_type3A_433, %select_n3A_446 : vector<16xi32>
      %add3A_448 = arith.constant 0.1171875 : f32
      %add3A_449 = vector.broadcast %add3A_448 : f32 to vector<16xf32>
      %add3A_450 = arith.addf %add3A_440, %add3A_449 : vector<16xf32>
      %ge3A_451 = arith.cmpf oge, %get3A_175, %add3A_450 : vector<16xf32>
      %jit3A_452 = arith.constant 1 : i32
      %jit3A_453 = arith.constant 0 : i32
      %broadcast_in_dim3A_454 = vector.broadcast %jit3A_452 : i32 to vector<16xi32>
      %broadcast_in_dim3A_455 = vector.broadcast %jit3A_453 : i32 to vector<16xi32>
      %select_n3A_456 = arith.select %ge3A_451, %broadcast_in_dim3A_454, %broadcast_in_dim3A_455 : vector<16xi1>, vector<16xi32>
      %add3A_457 = arith.addi %sub3A_447, %select_n3A_456 : vector<16xi32>
      %max3A_458 = arith.constant 0 : i32
      %max3A_459 = vector.broadcast %max3A_458 : i32 to vector<16xi32>
      %max3A_460 = arith.maxsi %add3A_457, %max3A_459 : vector<16xi32>
      %min3A_461 = arith.constant 255 : i32
      %min3A_462 = vector.broadcast %min3A_461 : i32 to vector<16xi32>
      %min3A_463 = arith.minsi %max3A_460, %min3A_462 : vector<16xi32>
      %and3A_464 = arith.constant 128 : i32
      %and3A_465 = vector.broadcast %and3A_464 : i32 to vector<16xi32>
      %and3A_466 = arith.andi %min3A_352, %and3A_465 : vector<16xi32>
      %shift_left3A = arith.constant 2 : i32
      %shift_left3A_467 = vector.broadcast %shift_left3A : i32 to vector<16xi32>
      %shift_left3A_468 = arith.shli %and3A_466, %shift_left3A_467 : vector<16xi32>
      %add3A_469 = arith.addi %mul3A_85, %shift_left3A_468 : vector<16xi32>
      %and3A_470 = arith.constant 127 : i32
      %and3A_471 = vector.broadcast %and3A_470 : i32 to vector<16xi32>
      %and3A_472 = arith.andi %min3A_352, %and3A_471 : vector<16xi32>
      %add3A_473 = arith.addi %add3A_469, %and3A_472 : vector<16xi32>
      %add3A_474 = arith.constant 0 : i32
      %add3A_475 = vector.broadcast %add3A_474 : i32 to vector<16xi32>
      %add3A_476 = arith.addi %add3A_473, %add3A_475 : vector<16xi32>
      tpu.vector_store_idx %arg7[%add3A_476], %get3A_184 {add = true} : memref<32768xf32, #tpu.memory_space<vmem>>[vector<16xi32>], vector<16xf32>,
      %add3A_477 = arith.constant 128 : i32
      %add3A_478 = vector.broadcast %add3A_477 : i32 to vector<16xi32>
      %add3A_479 = arith.addi %add3A_473, %add3A_478 : vector<16xi32>
      tpu.vector_store_idx %arg7[%add3A_479], %get3A_193 {add = true} : memref<32768xf32, #tpu.memory_space<vmem>>[vector<16xi32>], vector<16xf32>,
      %add3A_480 = arith.constant 256 : i32
      %add3A_481 = vector.broadcast %add3A_480 : i32 to vector<16xi32>
      %add3A_482 = arith.addi %add3A_473, %add3A_481 : vector<16xi32>
      tpu.vector_store_idx %arg7[%add3A_482], %get3A_202 {add = true} : memref<32768xf32, #tpu.memory_space<vmem>>[vector<16xi32>], vector<16xf32>,
      %add3A_483 = arith.constant 384 : i32
      %add3A_484 = vector.broadcast %add3A_483 : i32 to vector<16xi32>
      %add3A_485 = arith.addi %add3A_473, %add3A_484 : vector<16xi32>
      tpu.vector_store_idx %arg7[%add3A_485], %get3A_211 {add = true} : memref<32768xf32, #tpu.memory_space<vmem>>[vector<16xi32>], vector<16xf32>,
      %and3A_486 = arith.constant 128 : i32
      %and3A_487 = vector.broadcast %and3A_486 : i32 to vector<16xi32>
      %and3A_488 = arith.andi %min3A_389, %and3A_487 : vector<16xi32>
      %shift_left3A_489 = arith.constant 2 : i32
      %shift_left3A_490 = vector.broadcast %shift_left3A_489 : i32 to vector<16xi32>
      %shift_left3A_491 = arith.shli %and3A_488, %shift_left3A_490 : vector<16xi32>
      %add3A_492 = arith.addi %mul3A_85, %shift_left3A_491 : vector<16xi32>
      %and3A_493 = arith.constant 127 : i32
      %and3A_494 = vector.broadcast %and3A_493 : i32 to vector<16xi32>
      %and3A_495 = arith.andi %min3A_389, %and3A_494 : vector<16xi32>
      %add3A_496 = arith.addi %add3A_492, %and3A_495 : vector<16xi32>
      %add3A_497 = arith.constant 0 : i32
      %add3A_498 = vector.broadcast %add3A_497 : i32 to vector<16xi32>
      %add3A_499 = arith.addi %add3A_496, %add3A_498 : vector<16xi32>
      tpu.vector_store_idx %arg7[%add3A_499], %get3A_220 {add = true} : memref<32768xf32, #tpu.memory_space<vmem>>[vector<16xi32>], vector<16xf32>,
      %add3A_500 = arith.constant 128 : i32
      %add3A_501 = vector.broadcast %add3A_500 : i32 to vector<16xi32>
      %add3A_502 = arith.addi %add3A_496, %add3A_501 : vector<16xi32>
      tpu.vector_store_idx %arg7[%add3A_502], %get3A_229 {add = true} : memref<32768xf32, #tpu.memory_space<vmem>>[vector<16xi32>], vector<16xf32>,
      %add3A_503 = arith.constant 256 : i32
      %add3A_504 = vector.broadcast %add3A_503 : i32 to vector<16xi32>
      %add3A_505 = arith.addi %add3A_496, %add3A_504 : vector<16xi32>
      tpu.vector_store_idx %arg7[%add3A_505], %get3A_238 {add = true} : memref<32768xf32, #tpu.memory_space<vmem>>[vector<16xi32>], vector<16xf32>,
      %add3A_506 = arith.constant 384 : i32
      %add3A_507 = vector.broadcast %add3A_506 : i32 to vector<16xi32>
      %add3A_508 = arith.addi %add3A_496, %add3A_507 : vector<16xi32>
      tpu.vector_store_idx %arg7[%add3A_508], %get3A_247 {add = true} : memref<32768xf32, #tpu.memory_space<vmem>>[vector<16xi32>], vector<16xf32>,
      %and3A_509 = arith.constant 128 : i32
      %and3A_510 = vector.broadcast %and3A_509 : i32 to vector<16xi32>
      %and3A_511 = arith.andi %min3A_426, %and3A_510 : vector<16xi32>
      %shift_left3A_512 = arith.constant 2 : i32
      %shift_left3A_513 = vector.broadcast %shift_left3A_512 : i32 to vector<16xi32>
      %shift_left3A_514 = arith.shli %and3A_511, %shift_left3A_513 : vector<16xi32>
      %add3A_515 = arith.addi %mul3A_85, %shift_left3A_514 : vector<16xi32>
      %and3A_516 = arith.constant 127 : i32
      %and3A_517 = vector.broadcast %and3A_516 : i32 to vector<16xi32>
      %and3A_518 = arith.andi %min3A_426, %and3A_517 : vector<16xi32>
      %add3A_519 = arith.addi %add3A_515, %and3A_518 : vector<16xi32>
      %add3A_520 = arith.constant 0 : i32
      %add3A_521 = vector.broadcast %add3A_520 : i32 to vector<16xi32>
      %add3A_522 = arith.addi %add3A_519, %add3A_521 : vector<16xi32>
      tpu.vector_store_idx %arg7[%add3A_522], %get3A_256 {add = true} : memref<32768xf32, #tpu.memory_space<vmem>>[vector<16xi32>], vector<16xf32>,
      %add3A_523 = arith.constant 128 : i32
      %add3A_524 = vector.broadcast %add3A_523 : i32 to vector<16xi32>
      %add3A_525 = arith.addi %add3A_519, %add3A_524 : vector<16xi32>
      tpu.vector_store_idx %arg7[%add3A_525], %get3A_265 {add = true} : memref<32768xf32, #tpu.memory_space<vmem>>[vector<16xi32>], vector<16xf32>,
      %add3A_526 = arith.constant 256 : i32
      %add3A_527 = vector.broadcast %add3A_526 : i32 to vector<16xi32>
      %add3A_528 = arith.addi %add3A_519, %add3A_527 : vector<16xi32>
      tpu.vector_store_idx %arg7[%add3A_528], %get3A_274 {add = true} : memref<32768xf32, #tpu.memory_space<vmem>>[vector<16xi32>], vector<16xf32>,
      %add3A_529 = arith.constant 384 : i32
      %add3A_530 = vector.broadcast %add3A_529 : i32 to vector<16xi32>
      %add3A_531 = arith.addi %add3A_519, %add3A_530 : vector<16xi32>
      tpu.vector_store_idx %arg7[%add3A_531], %get3A_283 {add = true} : memref<32768xf32, #tpu.memory_space<vmem>>[vector<16xi32>], vector<16xf32>,
      %and3A_532 = arith.constant 128 : i32
      %and3A_533 = vector.broadcast %and3A_532 : i32 to vector<16xi32>
      %and3A_534 = arith.andi %min3A_463, %and3A_533 : vector<16xi32>
      %shift_left3A_535 = arith.constant 2 : i32
      %shift_left3A_536 = vector.broadcast %shift_left3A_535 : i32 to vector<16xi32>
      %shift_left3A_537 = arith.shli %and3A_534, %shift_left3A_536 : vector<16xi32>
      %add3A_538 = arith.addi %mul3A_85, %shift_left3A_537 : vector<16xi32>
      %and3A_539 = arith.constant 127 : i32
      %and3A_540 = vector.broadcast %and3A_539 : i32 to vector<16xi32>
      %and3A_541 = arith.andi %min3A_463, %and3A_540 : vector<16xi32>
      %add3A_542 = arith.addi %add3A_538, %and3A_541 : vector<16xi32>
      %add3A_543 = arith.constant 0 : i32
      %add3A_544 = vector.broadcast %add3A_543 : i32 to vector<16xi32>
      %add3A_545 = arith.addi %add3A_542, %add3A_544 : vector<16xi32>
      tpu.vector_store_idx %arg7[%add3A_545], %get3A_292 {add = true} : memref<32768xf32, #tpu.memory_space<vmem>>[vector<16xi32>], vector<16xf32>,
      %add3A_546 = arith.constant 128 : i32
      %add3A_547 = vector.broadcast %add3A_546 : i32 to vector<16xi32>
      %add3A_548 = arith.addi %add3A_542, %add3A_547 : vector<16xi32>
      tpu.vector_store_idx %arg7[%add3A_548], %get3A_301 {add = true} : memref<32768xf32, #tpu.memory_space<vmem>>[vector<16xi32>], vector<16xf32>,
      %add3A_549 = arith.constant 256 : i32
      %add3A_550 = vector.broadcast %add3A_549 : i32 to vector<16xi32>
      %add3A_551 = arith.addi %add3A_542, %add3A_550 : vector<16xi32>
      tpu.vector_store_idx %arg7[%add3A_551], %get3A_310 {add = true} : memref<32768xf32, #tpu.memory_space<vmem>>[vector<16xi32>], vector<16xf32>,
      %add3A_552 = arith.constant 384 : i32
      %add3A_553 = vector.broadcast %add3A_552 : i32 to vector<16xi32>
      %add3A_554 = arith.addi %add3A_542, %add3A_553 : vector<16xi32>
      tpu.vector_store_idx %arg7[%add3A_554], %get3A_319 {add = true} : memref<32768xf32, #tpu.memory_space<vmem>>[vector<16xi32>], vector<16xf32>,
      %scan3A_555 = arith.constant 0 : i32
      scf.yield %scan3A_555 : i32
    }
    %scan3A_94 = arith.constant 12 : i32
    %dma_wait3A_95 = arith.constant 192 : i32
    %dma_wait3A_96 = arith.constant 0 : i32
    %dma_wait3A_97 = tpu.memref_slice %arg6[%dma_wait3A_95, %dma_wait3A_96] : memref<400x128xf32, #tpu.memory_space<vmem>> -> memref<208x128xf32, #tpu.memory_space<vmem>>
    %dma_wait3A_98 = arith.constant 192 : i32
    %dma_wait3A_99 = tpu.memref_slice %arg3[%dma_wait3A_98, %mul3A_20] : memref<400x1024xf32, #tpu.memory_space<hbm>> -> memref<208x128xf32, #tpu.memory_space<hbm>>
    %dma_wait3A_100 = arith.constant 192 : i32
    %dma_wait3A_101 = arith.constant 0 : i32
    %dma_wait3A_102 = tpu.memref_slice %arg6[%dma_wait3A_100, %dma_wait3A_101] : memref<400x128xf32, #tpu.memory_space<vmem>> -> memref<208x128xf32, #tpu.memory_space<vmem>>
    %dma_wait3A_103 = arith.constant 192 : i32
    %dma_wait3A_104 = tpu.memref_slice %arg3[%dma_wait3A_103, %mul3A_20] : memref<400x1024xf32, #tpu.memory_space<hbm>> -> memref<208x128xf32, #tpu.memory_space<hbm>>
    tpu.wait_dma2 semaphore(%arg10 : memref<!tpu.dma_semaphore, #tpu.memory_space<semaphore_mem>>) src(%dma_wait3A_104 : memref<208x128xf32, #tpu.memory_space<hbm>>) dst(%dma_wait3A_102 : memref<208x128xf32, #tpu.memory_space<vmem>>)
    %add3A_105 = arith.constant 0 : i32
    %add3A_106 = vector.broadcast %add3A_105 : i32 to vector<16xi32>
    %add3A_107 = arith.addi %add3A_106, %iota3A : vector<16xi32>
    %mul3A_108 = arith.constant 1024 : i32
    %mul3A_109 = vector.broadcast %mul3A_108 : i32 to vector<16xi32>
    %mul3A_110 = arith.muli %add3A_107, %mul3A_109 : vector<16xi32>
    %add3A_111 = arith.constant 0 : i32
    %add3A_112 = arith.addi %mul3A_36, %add3A_111 : i32
    %scan3A_113 = arith.constant 0 : i32
    %scan3A_114 = arith.constant 12 : i32
    %scan3A_115 = arith.constant 13 : i32
    %scan3A_116 = arith.addi %scan3A_114, %scan3A_115 : i32
    %scan3A_117 = arith.constant 1 : i32
    %scan3A_118 = scf.for %scan3A_153 = %scan3A_114 to %scan3A_116 step %scan3A_117 iter_args(%scan3A_154 = %scan3A_113) -> (i32)  : i32 {
      %mul3A_155 = arith.constant 4 : i32
      %mul3A_156 = arith.muli %scan3A_153, %mul3A_155 : i32
      %add3A_157 = arith.constant 0 : i32
      %add3A_158 = arith.addi %mul3A_156, %add3A_157 : i32
      %get3A = arith.index_cast %add3A_158 : i32 to index
      %get3A_159 = arith.index_cast %add3A_112 : i32 to index
      %get3A_160 = tpu.vector_load %arg5[%get3A, %get3A_159] {strides = array<i32>} : memref<100x128xf32, #tpu.memory_space<vmem>>, vector<16xf32>,
      %add3A_161 = arith.constant 1 : i32
      %add3A_162 = arith.addi %mul3A_156, %add3A_161 : i32
      %get3A_163 = arith.index_cast %add3A_162 : i32 to index
      %get3A_164 = arith.index_cast %add3A_112 : i32 to index
      %get3A_165 = tpu.vector_load %arg5[%get3A_163, %get3A_164] {strides = array<i32>} : memref<100x128xf32, #tpu.memory_space<vmem>>, vector<16xf32>,
      %add3A_166 = arith.constant 2 : i32
      %add3A_167 = arith.addi %mul3A_156, %add3A_166 : i32
      %get3A_168 = arith.index_cast %add3A_167 : i32 to index
      %get3A_169 = arith.index_cast %add3A_112 : i32 to index
      %get3A_170 = tpu.vector_load %arg5[%get3A_168, %get3A_169] {strides = array<i32>} : memref<100x128xf32, #tpu.memory_space<vmem>>, vector<16xf32>,
      %add3A_171 = arith.constant 3 : i32
      %add3A_172 = arith.addi %mul3A_156, %add3A_171 : i32
      %get3A_173 = arith.index_cast %add3A_172 : i32 to index
      %get3A_174 = arith.index_cast %add3A_112 : i32 to index
      %get3A_175 = tpu.vector_load %arg5[%get3A_173, %get3A_174] {strides = array<i32>} : memref<100x128xf32, #tpu.memory_space<vmem>>, vector<16xf32>,
      %add3A_176 = arith.constant 0 : i32
      %add3A_177 = arith.addi %mul3A_156, %add3A_176 : i32
      %mul3A_178 = arith.constant 4 : i32
      %mul3A_179 = arith.muli %add3A_177, %mul3A_178 : i32
      %add3A_180 = arith.constant 0 : i32
      %add3A_181 = arith.addi %mul3A_179, %add3A_180 : i32
      %get3A_182 = arith.index_cast %add3A_181 : i32 to index
      %get3A_183 = arith.index_cast %add3A_112 : i32 to index
      %get3A_184 = tpu.vector_load %arg6[%get3A_182, %get3A_183] {strides = array<i32>} : memref<400x128xf32, #tpu.memory_space<vmem>>, vector<16xf32>,
      %add3A_185 = arith.constant 0 : i32
      %add3A_186 = arith.addi %mul3A_156, %add3A_185 : i32
      %mul3A_187 = arith.constant 4 : i32
      %mul3A_188 = arith.muli %add3A_186, %mul3A_187 : i32
      %add3A_189 = arith.constant 1 : i32
      %add3A_190 = arith.addi %mul3A_188, %add3A_189 : i32
      %get3A_191 = arith.index_cast %add3A_190 : i32 to index
      %get3A_192 = arith.index_cast %add3A_112 : i32 to index
      %get3A_193 = tpu.vector_load %arg6[%get3A_191, %get3A_192] {strides = array<i32>} : memref<400x128xf32, #tpu.memory_space<vmem>>, vector<16xf32>,
      %add3A_194 = arith.constant 0 : i32
      %add3A_195 = arith.addi %mul3A_156, %add3A_194 : i32
      %mul3A_196 = arith.constant 4 : i32
      %mul3A_197 = arith.muli %add3A_195, %mul3A_196 : i32
      %add3A_198 = arith.constant 2 : i32
      %add3A_199 = arith.addi %mul3A_197, %add3A_198 : i32
      %get3A_200 = arith.index_cast %add3A_199 : i32 to index
      %get3A_201 = arith.index_cast %add3A_112 : i32 to index
      %get3A_202 = tpu.vector_load %arg6[%get3A_200, %get3A_201] {strides = array<i32>} : memref<400x128xf32, #tpu.memory_space<vmem>>, vector<16xf32>,
      %add3A_203 = arith.constant 0 : i32
      %add3A_204 = arith.addi %mul3A_156, %add3A_203 : i32
      %mul3A_205 = arith.constant 4 : i32
      %mul3A_206 = arith.muli %add3A_204, %mul3A_205 : i32
      %add3A_207 = arith.constant 3 : i32
      %add3A_208 = arith.addi %mul3A_206, %add3A_207 : i32
      %get3A_209 = arith.index_cast %add3A_208 : i32 to index
      %get3A_210 = arith.index_cast %add3A_112 : i32 to index
      %get3A_211 = tpu.vector_load %arg6[%get3A_209, %get3A_210] {strides = array<i32>} : memref<400x128xf32, #tpu.memory_space<vmem>>, vector<16xf32>,
      %add3A_212 = arith.constant 1 : i32
      %add3A_213 = arith.addi %mul3A_156, %add3A_212 : i32
      %mul3A_214 = arith.constant 4 : i32
      %mul3A_215 = arith.muli %add3A_213, %mul3A_214 : i32
      %add3A_216 = arith.constant 0 : i32
      %add3A_217 = arith.addi %mul3A_215, %add3A_216 : i32
      %get3A_218 = arith.index_cast %add3A_217 : i32 to index
      %get3A_219 = arith.index_cast %add3A_112 : i32 to index
      %get3A_220 = tpu.vector_load %arg6[%get3A_218, %get3A_219] {strides = array<i32>} : memref<400x128xf32, #tpu.memory_space<vmem>>, vector<16xf32>,
      %add3A_221 = arith.constant 1 : i32
      %add3A_222 = arith.addi %mul3A_156, %add3A_221 : i32
      %mul3A_223 = arith.constant 4 : i32
      %mul3A_224 = arith.muli %add3A_222, %mul3A_223 : i32
      %add3A_225 = arith.constant 1 : i32
      %add3A_226 = arith.addi %mul3A_224, %add3A_225 : i32
      %get3A_227 = arith.index_cast %add3A_226 : i32 to index
      %get3A_228 = arith.index_cast %add3A_112 : i32 to index
      %get3A_229 = tpu.vector_load %arg6[%get3A_227, %get3A_228] {strides = array<i32>} : memref<400x128xf32, #tpu.memory_space<vmem>>, vector<16xf32>,
      %add3A_230 = arith.constant 1 : i32
      %add3A_231 = arith.addi %mul3A_156, %add3A_230 : i32
      %mul3A_232 = arith.constant 4 : i32
      %mul3A_233 = arith.muli %add3A_231, %mul3A_232 : i32
      %add3A_234 = arith.constant 2 : i32
      %add3A_235 = arith.addi %mul3A_233, %add3A_234 : i32
      %get3A_236 = arith.index_cast %add3A_235 : i32 to index
      %get3A_237 = arith.index_cast %add3A_112 : i32 to index
      %get3A_238 = tpu.vector_load %arg6[%get3A_236, %get3A_237] {strides = array<i32>} : memref<400x128xf32, #tpu.memory_space<vmem>>, vector<16xf32>,
      %add3A_239 = arith.constant 1 : i32
      %add3A_240 = arith.addi %mul3A_156, %add3A_239 : i32
      %mul3A_241 = arith.constant 4 : i32
      %mul3A_242 = arith.muli %add3A_240, %mul3A_241 : i32
      %add3A_243 = arith.constant 3 : i32
      %add3A_244 = arith.addi %mul3A_242, %add3A_243 : i32
      %get3A_245 = arith.index_cast %add3A_244 : i32 to index
      %get3A_246 = arith.index_cast %add3A_112 : i32 to index
      %get3A_247 = tpu.vector_load %arg6[%get3A_245, %get3A_246] {strides = array<i32>} : memref<400x128xf32, #tpu.memory_space<vmem>>, vector<16xf32>,
      %add3A_248 = arith.constant 2 : i32
      %add3A_249 = arith.addi %mul3A_156, %add3A_248 : i32
      %mul3A_250 = arith.constant 4 : i32
      %mul3A_251 = arith.muli %add3A_249, %mul3A_250 : i32
      %add3A_252 = arith.constant 0 : i32
      %add3A_253 = arith.addi %mul3A_251, %add3A_252 : i32
      %get3A_254 = arith.index_cast %add3A_253 : i32 to index
      %get3A_255 = arith.index_cast %add3A_112 : i32 to index
      %get3A_256 = tpu.vector_load %arg6[%get3A_254, %get3A_255] {strides = array<i32>} : memref<400x128xf32, #tpu.memory_space<vmem>>, vector<16xf32>,
      %add3A_257 = arith.constant 2 : i32
      %add3A_258 = arith.addi %mul3A_156, %add3A_257 : i32
      %mul3A_259 = arith.constant 4 : i32
      %mul3A_260 = arith.muli %add3A_258, %mul3A_259 : i32
      %add3A_261 = arith.constant 1 : i32
      %add3A_262 = arith.addi %mul3A_260, %add3A_261 : i32
      %get3A_263 = arith.index_cast %add3A_262 : i32 to index
      %get3A_264 = arith.index_cast %add3A_112 : i32 to index
      %get3A_265 = tpu.vector_load %arg6[%get3A_263, %get3A_264] {strides = array<i32>} : memref<400x128xf32, #tpu.memory_space<vmem>>, vector<16xf32>,
      %add3A_266 = arith.constant 2 : i32
      %add3A_267 = arith.addi %mul3A_156, %add3A_266 : i32
      %mul3A_268 = arith.constant 4 : i32
      %mul3A_269 = arith.muli %add3A_267, %mul3A_268 : i32
      %add3A_270 = arith.constant 2 : i32
      %add3A_271 = arith.addi %mul3A_269, %add3A_270 : i32
      %get3A_272 = arith.index_cast %add3A_271 : i32 to index
      %get3A_273 = arith.index_cast %add3A_112 : i32 to index
      %get3A_274 = tpu.vector_load %arg6[%get3A_272, %get3A_273] {strides = array<i32>} : memref<400x128xf32, #tpu.memory_space<vmem>>, vector<16xf32>,
      %add3A_275 = arith.constant 2 : i32
      %add3A_276 = arith.addi %mul3A_156, %add3A_275 : i32
      %mul3A_277 = arith.constant 4 : i32
      %mul3A_278 = arith.muli %add3A_276, %mul3A_277 : i32
      %add3A_279 = arith.constant 3 : i32
      %add3A_280 = arith.addi %mul3A_278, %add3A_279 : i32
      %get3A_281 = arith.index_cast %add3A_280 : i32 to index
      %get3A_282 = arith.index_cast %add3A_112 : i32 to index
      %get3A_283 = tpu.vector_load %arg6[%get3A_281, %get3A_282] {strides = array<i32>} : memref<400x128xf32, #tpu.memory_space<vmem>>, vector<16xf32>,
      %add3A_284 = arith.constant 3 : i32
      %add3A_285 = arith.addi %mul3A_156, %add3A_284 : i32
      %mul3A_286 = arith.constant 4 : i32
      %mul3A_287 = arith.muli %add3A_285, %mul3A_286 : i32
      %add3A_288 = arith.constant 0 : i32
      %add3A_289 = arith.addi %mul3A_287, %add3A_288 : i32
      %get3A_290 = arith.index_cast %add3A_289 : i32 to index
      %get3A_291 = arith.index_cast %add3A_112 : i32 to index
      %get3A_292 = tpu.vector_load %arg6[%get3A_290, %get3A_291] {strides = array<i32>} : memref<400x128xf32, #tpu.memory_space<vmem>>, vector<16xf32>,
      %add3A_293 = arith.constant 3 : i32
      %add3A_294 = arith.addi %mul3A_156, %add3A_293 : i32
      %mul3A_295 = arith.constant 4 : i32
      %mul3A_296 = arith.muli %add3A_294, %mul3A_295 : i32
      %add3A_297 = arith.constant 1 : i32
      %add3A_298 = arith.addi %mul3A_296, %add3A_297 : i32
      %get3A_299 = arith.index_cast %add3A_298 : i32 to index
      %get3A_300 = arith.index_cast %add3A_112 : i32 to index
      %get3A_301 = tpu.vector_load %arg6[%get3A_299, %get3A_300] {strides = array<i32>} : memref<400x128xf32, #tpu.memory_space<vmem>>, vector<16xf32>,
      %add3A_302 = arith.constant 3 : i32
      %add3A_303 = arith.addi %mul3A_156, %add3A_302 : i32
      %mul3A_304 = arith.constant 4 : i32
      %mul3A_305 = arith.muli %add3A_303, %mul3A_304 : i32
      %add3A_306 = arith.constant 2 : i32
      %add3A_307 = arith.addi %mul3A_305, %add3A_306 : i32
      %get3A_308 = arith.index_cast %add3A_307 : i32 to index
      %get3A_309 = arith.index_cast %add3A_112 : i32 to index
      %get3A_310 = tpu.vector_load %arg6[%get3A_308, %get3A_309] {strides = array<i32>} : memref<400x128xf32, #tpu.memory_space<vmem>>, vector<16xf32>,
      %add3A_311 = arith.constant 3 : i32
      %add3A_312 = arith.addi %mul3A_156, %add3A_311 : i32
      %mul3A_313 = arith.constant 4 : i32
      %mul3A_314 = arith.muli %add3A_312, %mul3A_313 : i32
      %add3A_315 = arith.constant 3 : i32
      %add3A_316 = arith.addi %mul3A_314, %add3A_315 : i32
      %get3A_317 = arith.index_cast %add3A_316 : i32 to index
      %get3A_318 = arith.index_cast %add3A_112 : i32 to index
      %get3A_319 = tpu.vector_load %arg6[%get3A_317, %get3A_318] {strides = array<i32>} : memref<400x128xf32, #tpu.memory_space<vmem>>, vector<16xf32>,
      %sub3A_320 = arith.constant -1.500000e+01 : f32
      %sub3A_321 = vector.broadcast %sub3A_320 : f32 to vector<16xf32>
      %sub3A_322 = arith.subf %get3A_160, %sub3A_321 : vector<16xf32>
      %mul3A_323 = arith.constant 8.53333377 : f32
      %mul3A_324 = vector.broadcast %mul3A_323 : f32 to vector<16xf32>
      %mul3A_325 = arith.mulf %sub3A_322, %mul3A_324 : vector<16xf32>
      %convert_element_type3A = arith.fptosi %mul3A_325 : vector<16xf32> to vector<16xi32>
      %convert_element_type3A_326 = arith.sitofp %convert_element_type3A : vector<16xi32> to vector<16xf32>
      %mul3A_327 = arith.constant 0.1171875 : f32
      %mul3A_328 = vector.broadcast %mul3A_327 : f32 to vector<16xf32>
      %mul3A_329 = arith.mulf %convert_element_type3A_326, %mul3A_328 : vector<16xf32>
      %add3A_330 = arith.constant -1.500000e+01 : f32
      %add3A_331 = vector.broadcast %add3A_330 : f32 to vector<16xf32>
      %add3A_332 = arith.addf %mul3A_329, %add3A_331 : vector<16xf32>
      %lt3A_333 = arith.cmpf olt, %get3A_160, %add3A_332 : vector<16xf32>
      %jit3A_334 = arith.constant 1 : i32
      %jit3A_335 = arith.constant 0 : i32
      %broadcast_in_dim3A_336 = vector.broadcast %jit3A_334 : i32 to vector<16xi32>
      %broadcast_in_dim3A_337 = vector.broadcast %jit3A_335 : i32 to vector<16xi32>
      %select_n3A_338 = arith.select %lt3A_333, %broadcast_in_dim3A_336, %broadcast_in_dim3A_337 : vector<16xi1>, vector<16xi32>
      %sub3A_339 = arith.subi %convert_element_type3A, %select_n3A_338 : vector<16xi32>
      %add3A_340 = arith.constant 0.1171875 : f32
      %add3A_341 = vector.broadcast %add3A_340 : f32 to vector<16xf32>
      %add3A_342 = arith.addf %add3A_332, %add3A_341 : vector<16xf32>
      %ge3A = arith.cmpf oge, %get3A_160, %add3A_342 : vector<16xf32>
      %jit3A_343 = arith.constant 1 : i32
      %jit3A_344 = arith.constant 0 : i32
      %broadcast_in_dim3A_345 = vector.broadcast %jit3A_343 : i32 to vector<16xi32>
      %broadcast_in_dim3A_346 = vector.broadcast %jit3A_344 : i32 to vector<16xi32>
      %select_n3A_347 = arith.select %ge3A, %broadcast_in_dim3A_345, %broadcast_in_dim3A_346 : vector<16xi1>, vector<16xi32>
      %add3A_348 = arith.addi %sub3A_339, %select_n3A_347 : vector<16xi32>
      %max3A = arith.constant 0 : i32
      %max3A_349 = vector.broadcast %max3A : i32 to vector<16xi32>
      %max3A_350 = arith.maxsi %add3A_348, %max3A_349 : vector<16xi32>
      %min3A = arith.constant 255 : i32
      %min3A_351 = vector.broadcast %min3A : i32 to vector<16xi32>
      %min3A_352 = arith.minsi %max3A_350, %min3A_351 : vector<16xi32>
      %sub3A_353 = arith.constant -1.500000e+01 : f32
      %sub3A_354 = vector.broadcast %sub3A_353 : f32 to vector<16xf32>
      %sub3A_355 = arith.subf %get3A_165, %sub3A_354 : vector<16xf32>
      %mul3A_356 = arith.constant 8.53333377 : f32
      %mul3A_357 = vector.broadcast %mul3A_356 : f32 to vector<16xf32>
      %mul3A_358 = arith.mulf %sub3A_355, %mul3A_357 : vector<16xf32>
      %convert_element_type3A_359 = arith.fptosi %mul3A_358 : vector<16xf32> to vector<16xi32>
      %convert_element_type3A_360 = arith.sitofp %convert_element_type3A_359 : vector<16xi32> to vector<16xf32>
      %mul3A_361 = arith.constant 0.1171875 : f32
      %mul3A_362 = vector.broadcast %mul3A_361 : f32 to vector<16xf32>
      %mul3A_363 = arith.mulf %convert_element_type3A_360, %mul3A_362 : vector<16xf32>
      %add3A_364 = arith.constant -1.500000e+01 : f32
      %add3A_365 = vector.broadcast %add3A_364 : f32 to vector<16xf32>
      %add3A_366 = arith.addf %mul3A_363, %add3A_365 : vector<16xf32>
      %lt3A_367 = arith.cmpf olt, %get3A_165, %add3A_366 : vector<16xf32>
      %jit3A_368 = arith.constant 1 : i32
      %jit3A_369 = arith.constant 0 : i32
      %broadcast_in_dim3A_370 = vector.broadcast %jit3A_368 : i32 to vector<16xi32>
      %broadcast_in_dim3A_371 = vector.broadcast %jit3A_369 : i32 to vector<16xi32>
      %select_n3A_372 = arith.select %lt3A_367, %broadcast_in_dim3A_370, %broadcast_in_dim3A_371 : vector<16xi1>, vector<16xi32>
      %sub3A_373 = arith.subi %convert_element_type3A_359, %select_n3A_372 : vector<16xi32>
      %add3A_374 = arith.constant 0.1171875 : f32
      %add3A_375 = vector.broadcast %add3A_374 : f32 to vector<16xf32>
      %add3A_376 = arith.addf %add3A_366, %add3A_375 : vector<16xf32>
      %ge3A_377 = arith.cmpf oge, %get3A_165, %add3A_376 : vector<16xf32>
      %jit3A_378 = arith.constant 1 : i32
      %jit3A_379 = arith.constant 0 : i32
      %broadcast_in_dim3A_380 = vector.broadcast %jit3A_378 : i32 to vector<16xi32>
      %broadcast_in_dim3A_381 = vector.broadcast %jit3A_379 : i32 to vector<16xi32>
      %select_n3A_382 = arith.select %ge3A_377, %broadcast_in_dim3A_380, %broadcast_in_dim3A_381 : vector<16xi1>, vector<16xi32>
      %add3A_383 = arith.addi %sub3A_373, %select_n3A_382 : vector<16xi32>
      %max3A_384 = arith.constant 0 : i32
      %max3A_385 = vector.broadcast %max3A_384 : i32 to vector<16xi32>
      %max3A_386 = arith.maxsi %add3A_383, %max3A_385 : vector<16xi32>
      %min3A_387 = arith.constant 255 : i32
      %min3A_388 = vector.broadcast %min3A_387 : i32 to vector<16xi32>
      %min3A_389 = arith.minsi %max3A_386, %min3A_388 : vector<16xi32>
      %sub3A_390 = arith.constant -1.500000e+01 : f32
      %sub3A_391 = vector.broadcast %sub3A_390 : f32 to vector<16xf32>
      %sub3A_392 = arith.subf %get3A_170, %sub3A_391 : vector<16xf32>
      %mul3A_393 = arith.constant 8.53333377 : f32
      %mul3A_394 = vector.broadcast %mul3A_393 : f32 to vector<16xf32>
      %mul3A_395 = arith.mulf %sub3A_392, %mul3A_394 : vector<16xf32>
      %convert_element_type3A_396 = arith.fptosi %mul3A_395 : vector<16xf32> to vector<16xi32>
      %convert_element_type3A_397 = arith.sitofp %convert_element_type3A_396 : vector<16xi32> to vector<16xf32>
      %mul3A_398 = arith.constant 0.1171875 : f32
      %mul3A_399 = vector.broadcast %mul3A_398 : f32 to vector<16xf32>
      %mul3A_400 = arith.mulf %convert_element_type3A_397, %mul3A_399 : vector<16xf32>
      %add3A_401 = arith.constant -1.500000e+01 : f32
      %add3A_402 = vector.broadcast %add3A_401 : f32 to vector<16xf32>
      %add3A_403 = arith.addf %mul3A_400, %add3A_402 : vector<16xf32>
      %lt3A_404 = arith.cmpf olt, %get3A_170, %add3A_403 : vector<16xf32>
      %jit3A_405 = arith.constant 1 : i32
      %jit3A_406 = arith.constant 0 : i32
      %broadcast_in_dim3A_407 = vector.broadcast %jit3A_405 : i32 to vector<16xi32>
      %broadcast_in_dim3A_408 = vector.broadcast %jit3A_406 : i32 to vector<16xi32>
      %select_n3A_409 = arith.select %lt3A_404, %broadcast_in_dim3A_407, %broadcast_in_dim3A_408 : vector<16xi1>, vector<16xi32>
      %sub3A_410 = arith.subi %convert_element_type3A_396, %select_n3A_409 : vector<16xi32>
      %add3A_411 = arith.constant 0.1171875 : f32
      %add3A_412 = vector.broadcast %add3A_411 : f32 to vector<16xf32>
      %add3A_413 = arith.addf %add3A_403, %add3A_412 : vector<16xf32>
      %ge3A_414 = arith.cmpf oge, %get3A_170, %add3A_413 : vector<16xf32>
      %jit3A_415 = arith.constant 1 : i32
      %jit3A_416 = arith.constant 0 : i32
      %broadcast_in_dim3A_417 = vector.broadcast %jit3A_415 : i32 to vector<16xi32>
      %broadcast_in_dim3A_418 = vector.broadcast %jit3A_416 : i32 to vector<16xi32>
      %select_n3A_419 = arith.select %ge3A_414, %broadcast_in_dim3A_417, %broadcast_in_dim3A_418 : vector<16xi1>, vector<16xi32>
      %add3A_420 = arith.addi %sub3A_410, %select_n3A_419 : vector<16xi32>
      %max3A_421 = arith.constant 0 : i32
      %max3A_422 = vector.broadcast %max3A_421 : i32 to vector<16xi32>
      %max3A_423 = arith.maxsi %add3A_420, %max3A_422 : vector<16xi32>
      %min3A_424 = arith.constant 255 : i32
      %min3A_425 = vector.broadcast %min3A_424 : i32 to vector<16xi32>
      %min3A_426 = arith.minsi %max3A_423, %min3A_425 : vector<16xi32>
      %sub3A_427 = arith.constant -1.500000e+01 : f32
      %sub3A_428 = vector.broadcast %sub3A_427 : f32 to vector<16xf32>
      %sub3A_429 = arith.subf %get3A_175, %sub3A_428 : vector<16xf32>
      %mul3A_430 = arith.constant 8.53333377 : f32
      %mul3A_431 = vector.broadcast %mul3A_430 : f32 to vector<16xf32>
      %mul3A_432 = arith.mulf %sub3A_429, %mul3A_431 : vector<16xf32>
      %convert_element_type3A_433 = arith.fptosi %mul3A_432 : vector<16xf32> to vector<16xi32>
      %convert_element_type3A_434 = arith.sitofp %convert_element_type3A_433 : vector<16xi32> to vector<16xf32>
      %mul3A_435 = arith.constant 0.1171875 : f32
      %mul3A_436 = vector.broadcast %mul3A_435 : f32 to vector<16xf32>
      %mul3A_437 = arith.mulf %convert_element_type3A_434, %mul3A_436 : vector<16xf32>
      %add3A_438 = arith.constant -1.500000e+01 : f32
      %add3A_439 = vector.broadcast %add3A_438 : f32 to vector<16xf32>
      %add3A_440 = arith.addf %mul3A_437, %add3A_439 : vector<16xf32>
      %lt3A_441 = arith.cmpf olt, %get3A_175, %add3A_440 : vector<16xf32>
      %jit3A_442 = arith.constant 1 : i32
      %jit3A_443 = arith.constant 0 : i32
      %broadcast_in_dim3A_444 = vector.broadcast %jit3A_442 : i32 to vector<16xi32>
      %broadcast_in_dim3A_445 = vector.broadcast %jit3A_443 : i32 to vector<16xi32>
      %select_n3A_446 = arith.select %lt3A_441, %broadcast_in_dim3A_444, %broadcast_in_dim3A_445 : vector<16xi1>, vector<16xi32>
      %sub3A_447 = arith.subi %convert_element_type3A_433, %select_n3A_446 : vector<16xi32>
      %add3A_448 = arith.constant 0.1171875 : f32
      %add3A_449 = vector.broadcast %add3A_448 : f32 to vector<16xf32>
      %add3A_450 = arith.addf %add3A_440, %add3A_449 : vector<16xf32>
      %ge3A_451 = arith.cmpf oge, %get3A_175, %add3A_450 : vector<16xf32>
      %jit3A_452 = arith.constant 1 : i32
      %jit3A_453 = arith.constant 0 : i32
      %broadcast_in_dim3A_454 = vector.broadcast %jit3A_452 : i32 to vector<16xi32>
      %broadcast_in_dim3A_455 = vector.broadcast %jit3A_453 : i32 to vector<16xi32>
      %select_n3A_456 = arith.select %ge3A_451, %broadcast_in_dim3A_454, %broadcast_in_dim3A_455 : vector<16xi1>, vector<16xi32>
      %add3A_457 = arith.addi %sub3A_447, %select_n3A_456 : vector<16xi32>
      %max3A_458 = arith.constant 0 : i32
      %max3A_459 = vector.broadcast %max3A_458 : i32 to vector<16xi32>
      %max3A_460 = arith.maxsi %add3A_457, %max3A_459 : vector<16xi32>
      %min3A_461 = arith.constant 255 : i32
      %min3A_462 = vector.broadcast %min3A_461 : i32 to vector<16xi32>
      %min3A_463 = arith.minsi %max3A_460, %min3A_462 : vector<16xi32>
      %and3A_464 = arith.constant 128 : i32
      %and3A_465 = vector.broadcast %and3A_464 : i32 to vector<16xi32>
      %and3A_466 = arith.andi %min3A_352, %and3A_465 : vector<16xi32>
      %shift_left3A = arith.constant 2 : i32
      %shift_left3A_467 = vector.broadcast %shift_left3A : i32 to vector<16xi32>
      %shift_left3A_468 = arith.shli %and3A_466, %shift_left3A_467 : vector<16xi32>
      %add3A_469 = arith.addi %mul3A_110, %shift_left3A_468 : vector<16xi32>
      %and3A_470 = arith.constant 127 : i32
      %and3A_471 = vector.broadcast %and3A_470 : i32 to vector<16xi32>
      %and3A_472 = arith.andi %min3A_352, %and3A_471 : vector<16xi32>
      %add3A_473 = arith.addi %add3A_469, %and3A_472 : vector<16xi32>
      %add3A_474 = arith.constant 0 : i32
      %add3A_475 = vector.broadcast %add3A_474 : i32 to vector<16xi32>
      %add3A_476 = arith.addi %add3A_473, %add3A_475 : vector<16xi32>
      tpu.vector_store_idx %arg7[%add3A_476], %get3A_184 {add = true} : memref<32768xf32, #tpu.memory_space<vmem>>[vector<16xi32>], vector<16xf32>,
      %add3A_477 = arith.constant 128 : i32
      %add3A_478 = vector.broadcast %add3A_477 : i32 to vector<16xi32>
      %add3A_479 = arith.addi %add3A_473, %add3A_478 : vector<16xi32>
      tpu.vector_store_idx %arg7[%add3A_479], %get3A_193 {add = true} : memref<32768xf32, #tpu.memory_space<vmem>>[vector<16xi32>], vector<16xf32>,
      %add3A_480 = arith.constant 256 : i32
      %add3A_481 = vector.broadcast %add3A_480 : i32 to vector<16xi32>
      %add3A_482 = arith.addi %add3A_473, %add3A_481 : vector<16xi32>
      tpu.vector_store_idx %arg7[%add3A_482], %get3A_202 {add = true} : memref<32768xf32, #tpu.memory_space<vmem>>[vector<16xi32>], vector<16xf32>,
      %add3A_483 = arith.constant 384 : i32
      %add3A_484 = vector.broadcast %add3A_483 : i32 to vector<16xi32>
      %add3A_485 = arith.addi %add3A_473, %add3A_484 : vector<16xi32>
      tpu.vector_store_idx %arg7[%add3A_485], %get3A_211 {add = true} : memref<32768xf32, #tpu.memory_space<vmem>>[vector<16xi32>], vector<16xf32>,
      %and3A_486 = arith.constant 128 : i32
      %and3A_487 = vector.broadcast %and3A_486 : i32 to vector<16xi32>
      %and3A_488 = arith.andi %min3A_389, %and3A_487 : vector<16xi32>
      %shift_left3A_489 = arith.constant 2 : i32
      %shift_left3A_490 = vector.broadcast %shift_left3A_489 : i32 to vector<16xi32>
      %shift_left3A_491 = arith.shli %and3A_488, %shift_left3A_490 : vector<16xi32>
      %add3A_492 = arith.addi %mul3A_110, %shift_left3A_491 : vector<16xi32>
      %and3A_493 = arith.constant 127 : i32
      %and3A_494 = vector.broadcast %and3A_493 : i32 to vector<16xi32>
      %and3A_495 = arith.andi %min3A_389, %and3A_494 : vector<16xi32>
      %add3A_496 = arith.addi %add3A_492, %and3A_495 : vector<16xi32>
      %add3A_497 = arith.constant 0 : i32
      %add3A_498 = vector.broadcast %add3A_497 : i32 to vector<16xi32>
      %add3A_499 = arith.addi %add3A_496, %add3A_498 : vector<16xi32>
      tpu.vector_store_idx %arg7[%add3A_499], %get3A_220 {add = true} : memref<32768xf32, #tpu.memory_space<vmem>>[vector<16xi32>], vector<16xf32>,
      %add3A_500 = arith.constant 128 : i32
      %add3A_501 = vector.broadcast %add3A_500 : i32 to vector<16xi32>
      %add3A_502 = arith.addi %add3A_496, %add3A_501 : vector<16xi32>
      tpu.vector_store_idx %arg7[%add3A_502], %get3A_229 {add = true} : memref<32768xf32, #tpu.memory_space<vmem>>[vector<16xi32>], vector<16xf32>,
      %add3A_503 = arith.constant 256 : i32
      %add3A_504 = vector.broadcast %add3A_503 : i32 to vector<16xi32>
      %add3A_505 = arith.addi %add3A_496, %add3A_504 : vector<16xi32>
      tpu.vector_store_idx %arg7[%add3A_505], %get3A_238 {add = true} : memref<32768xf32, #tpu.memory_space<vmem>>[vector<16xi32>], vector<16xf32>,
      %add3A_506 = arith.constant 384 : i32
      %add3A_507 = vector.broadcast %add3A_506 : i32 to vector<16xi32>
      %add3A_508 = arith.addi %add3A_496, %add3A_507 : vector<16xi32>
      tpu.vector_store_idx %arg7[%add3A_508], %get3A_247 {add = true} : memref<32768xf32, #tpu.memory_space<vmem>>[vector<16xi32>], vector<16xf32>,
      %and3A_509 = arith.constant 128 : i32
      %and3A_510 = vector.broadcast %and3A_509 : i32 to vector<16xi32>
      %and3A_511 = arith.andi %min3A_426, %and3A_510 : vector<16xi32>
      %shift_left3A_512 = arith.constant 2 : i32
      %shift_left3A_513 = vector.broadcast %shift_left3A_512 : i32 to vector<16xi32>
      %shift_left3A_514 = arith.shli %and3A_511, %shift_left3A_513 : vector<16xi32>
      %add3A_515 = arith.addi %mul3A_110, %shift_left3A_514 : vector<16xi32>
      %and3A_516 = arith.constant 127 : i32
      %and3A_517 = vector.broadcast %and3A_516 : i32 to vector<16xi32>
      %and3A_518 = arith.andi %min3A_426, %and3A_517 : vector<16xi32>
      %add3A_519 = arith.addi %add3A_515, %and3A_518 : vector<16xi32>
      %add3A_520 = arith.constant 0 : i32
      %add3A_521 = vector.broadcast %add3A_520 : i32 to vector<16xi32>
      %add3A_522 = arith.addi %add3A_519, %add3A_521 : vector<16xi32>
      tpu.vector_store_idx %arg7[%add3A_522], %get3A_256 {add = true} : memref<32768xf32, #tpu.memory_space<vmem>>[vector<16xi32>], vector<16xf32>,
      %add3A_523 = arith.constant 128 : i32
      %add3A_524 = vector.broadcast %add3A_523 : i32 to vector<16xi32>
      %add3A_525 = arith.addi %add3A_519, %add3A_524 : vector<16xi32>
      tpu.vector_store_idx %arg7[%add3A_525], %get3A_265 {add = true} : memref<32768xf32, #tpu.memory_space<vmem>>[vector<16xi32>], vector<16xf32>,
      %add3A_526 = arith.constant 256 : i32
      %add3A_527 = vector.broadcast %add3A_526 : i32 to vector<16xi32>
      %add3A_528 = arith.addi %add3A_519, %add3A_527 : vector<16xi32>
      tpu.vector_store_idx %arg7[%add3A_528], %get3A_274 {add = true} : memref<32768xf32, #tpu.memory_space<vmem>>[vector<16xi32>], vector<16xf32>,
      %add3A_529 = arith.constant 384 : i32
      %add3A_530 = vector.broadcast %add3A_529 : i32 to vector<16xi32>
      %add3A_531 = arith.addi %add3A_519, %add3A_530 : vector<16xi32>
      tpu.vector_store_idx %arg7[%add3A_531], %get3A_283 {add = true} : memref<32768xf32, #tpu.memory_space<vmem>>[vector<16xi32>], vector<16xf32>,
      %and3A_532 = arith.constant 128 : i32
      %and3A_533 = vector.broadcast %and3A_532 : i32 to vector<16xi32>
      %and3A_534 = arith.andi %min3A_463, %and3A_533 : vector<16xi32>
      %shift_left3A_535 = arith.constant 2 : i32
      %shift_left3A_536 = vector.broadcast %shift_left3A_535 : i32 to vector<16xi32>
      %shift_left3A_537 = arith.shli %and3A_534, %shift_left3A_536 : vector<16xi32>
      %add3A_538 = arith.addi %mul3A_110, %shift_left3A_537 : vector<16xi32>
      %and3A_539 = arith.constant 127 : i32
      %and3A_540 = vector.broadcast %and3A_539 : i32 to vector<16xi32>
      %and3A_541 = arith.andi %min3A_463, %and3A_540 : vector<16xi32>
      %add3A_542 = arith.addi %add3A_538, %and3A_541 : vector<16xi32>
      %add3A_543 = arith.constant 0 : i32
      %add3A_544 = vector.broadcast %add3A_543 : i32 to vector<16xi32>
      %add3A_545 = arith.addi %add3A_542, %add3A_544 : vector<16xi32>
      tpu.vector_store_idx %arg7[%add3A_545], %get3A_292 {add = true} : memref<32768xf32, #tpu.memory_space<vmem>>[vector<16xi32>], vector<16xf32>,
      %add3A_546 = arith.constant 128 : i32
      %add3A_547 = vector.broadcast %add3A_546 : i32 to vector<16xi32>
      %add3A_548 = arith.addi %add3A_542, %add3A_547 : vector<16xi32>
      tpu.vector_store_idx %arg7[%add3A_548], %get3A_301 {add = true} : memref<32768xf32, #tpu.memory_space<vmem>>[vector<16xi32>], vector<16xf32>,
      %add3A_549 = arith.constant 256 : i32
      %add3A_550 = vector.broadcast %add3A_549 : i32 to vector<16xi32>
      %add3A_551 = arith.addi %add3A_542, %add3A_550 : vector<16xi32>
      tpu.vector_store_idx %arg7[%add3A_551], %get3A_310 {add = true} : memref<32768xf32, #tpu.memory_space<vmem>>[vector<16xi32>], vector<16xf32>,
      %add3A_552 = arith.constant 384 : i32
      %add3A_553 = vector.broadcast %add3A_552 : i32 to vector<16xi32>
      %add3A_554 = arith.addi %add3A_542, %add3A_553 : vector<16xi32>
      tpu.vector_store_idx %arg7[%add3A_554], %get3A_319 {add = true} : memref<32768xf32, #tpu.memory_space<vmem>>[vector<16xi32>], vector<16xf32>,
      %scan3A_555 = arith.constant 0 : i32
      scf.yield %scan3A_555 : i32
    }
    %scan3A_119 = arith.constant 13 : i32
    %mul3A_120 = arith.constant 1024 : i32
    %mul3A_121 = arith.muli %mul3A_2, %mul3A_120 : i32
    %dma_start3A_122 = arith.constant 0 : i32
    %dma_start3A_123 = tpu.memref_slice %arg7[%dma_start3A_122] : memref<32768xf32, #tpu.memory_space<vmem>> -> memref<16384xf32, #tpu.memory_space<vmem>>
    %dma_start3A_124 = tpu.memref_slice %arg4[%mul3A_121] : memref<1048576xf32, #tpu.memory_space<hbm>> -> memref<16384xf32, #tpu.memory_space<hbm>>
    %dma_start3A_125 = tpu.memref_slice %arg4[%mul3A_121] : memref<1048576xf32, #tpu.memory_space<hbm>> -> memref<16384xf32, #tpu.memory_space<hbm>>
    %dma_start3A_126 = arith.constant 0 : i32
    %dma_start3A_127 = tpu.memref_slice %arg7[%dma_start3A_126] : memref<32768xf32, #tpu.memory_space<vmem>> -> memref<16384xf32, #tpu.memory_space<vmem>>
    tpu.enqueue_dma source(%dma_start3A_127 : memref<16384xf32, #tpu.memory_space<vmem>>) target(%dma_start3A_125 : memref<16384xf32, #tpu.memory_space<hbm>>) target_semaphore(%arg11 : memref<!tpu.dma_semaphore, #tpu.memory_space<semaphore_mem>>)
    %add3A_128 = arith.constant 16 : i32
    %add3A_129 = vector.broadcast %add3A_128 : i32 to vector<16xi32>
    %add3A_130 = arith.addi %add3A_129, %iota3A : vector<16xi32>
    %mul3A_131 = arith.constant 1024 : i32
    %mul3A_132 = vector.broadcast %mul3A_131 : i32 to vector<16xi32>
    %mul3A_133 = arith.muli %add3A_130, %mul3A_132 : vector<16xi32>
    %add3A_134 = arith.constant 16 : i32
    %add3A_135 = arith.addi %mul3A_36, %add3A_134 : i32
    %scan3A_136 = arith.constant 0 : i32
    %scan3A_137 = arith.constant 0 : i32
    %scan3A_138 = arith.constant 25 : i32
    %scan3A_139 = arith.addi %scan3A_137, %scan3A_138 : i32
    %scan3A_140 = arith.constant 1 : i32
    %scan3A_141 = scf.for %scan3A_153 = %scan3A_137 to %scan3A_139 step %scan3A_140 iter_args(%scan3A_154 = %scan3A_136) -> (i32)  : i32 {
      %mul3A_155 = arith.constant 4 : i32
      %mul3A_156 = arith.muli %scan3A_153, %mul3A_155 : i32
      %add3A_157 = arith.constant 0 : i32
      %add3A_158 = arith.addi %mul3A_156, %add3A_157 : i32
      %get3A = arith.index_cast %add3A_158 : i32 to index
      %get3A_159 = arith.index_cast %add3A_135 : i32 to index
      %get3A_160 = tpu.vector_load %arg5[%get3A, %get3A_159] {strides = array<i32>} : memref<100x128xf32, #tpu.memory_space<vmem>>, vector<16xf32>,
      %add3A_161 = arith.constant 1 : i32
      %add3A_162 = arith.addi %mul3A_156, %add3A_161 : i32
      %get3A_163 = arith.index_cast %add3A_162 : i32 to index
      %get3A_164 = arith.index_cast %add3A_135 : i32 to index
      %get3A_165 = tpu.vector_load %arg5[%get3A_163, %get3A_164] {strides = array<i32>} : memref<100x128xf32, #tpu.memory_space<vmem>>, vector<16xf32>,
      %add3A_166 = arith.constant 2 : i32
      %add3A_167 = arith.addi %mul3A_156, %add3A_166 : i32
      %get3A_168 = arith.index_cast %add3A_167 : i32 to index
      %get3A_169 = arith.index_cast %add3A_135 : i32 to index
      %get3A_170 = tpu.vector_load %arg5[%get3A_168, %get3A_169] {strides = array<i32>} : memref<100x128xf32, #tpu.memory_space<vmem>>, vector<16xf32>,
      %add3A_171 = arith.constant 3 : i32
      %add3A_172 = arith.addi %mul3A_156, %add3A_171 : i32
      %get3A_173 = arith.index_cast %add3A_172 : i32 to index
      %get3A_174 = arith.index_cast %add3A_135 : i32 to index
      %get3A_175 = tpu.vector_load %arg5[%get3A_173, %get3A_174] {strides = array<i32>} : memref<100x128xf32, #tpu.memory_space<vmem>>, vector<16xf32>,
      %add3A_176 = arith.constant 0 : i32
      %add3A_177 = arith.addi %mul3A_156, %add3A_176 : i32
      %mul3A_178 = arith.constant 4 : i32
      %mul3A_179 = arith.muli %add3A_177, %mul3A_178 : i32
      %add3A_180 = arith.constant 0 : i32
      %add3A_181 = arith.addi %mul3A_179, %add3A_180 : i32
      %get3A_182 = arith.index_cast %add3A_181 : i32 to index
      %get3A_183 = arith.index_cast %add3A_135 : i32 to index
      %get3A_184 = tpu.vector_load %arg6[%get3A_182, %get3A_183] {strides = array<i32>} : memref<400x128xf32, #tpu.memory_space<vmem>>, vector<16xf32>,
      %add3A_185 = arith.constant 0 : i32
      %add3A_186 = arith.addi %mul3A_156, %add3A_185 : i32
      %mul3A_187 = arith.constant 4 : i32
      %mul3A_188 = arith.muli %add3A_186, %mul3A_187 : i32
      %add3A_189 = arith.constant 1 : i32
      %add3A_190 = arith.addi %mul3A_188, %add3A_189 : i32
      %get3A_191 = arith.index_cast %add3A_190 : i32 to index
      %get3A_192 = arith.index_cast %add3A_135 : i32 to index
      %get3A_193 = tpu.vector_load %arg6[%get3A_191, %get3A_192] {strides = array<i32>} : memref<400x128xf32, #tpu.memory_space<vmem>>, vector<16xf32>,
      %add3A_194 = arith.constant 0 : i32
      %add3A_195 = arith.addi %mul3A_156, %add3A_194 : i32
      %mul3A_196 = arith.constant 4 : i32
      %mul3A_197 = arith.muli %add3A_195, %mul3A_196 : i32
      %add3A_198 = arith.constant 2 : i32
      %add3A_199 = arith.addi %mul3A_197, %add3A_198 : i32
      %get3A_200 = arith.index_cast %add3A_199 : i32 to index
      %get3A_201 = arith.index_cast %add3A_135 : i32 to index
      %get3A_202 = tpu.vector_load %arg6[%get3A_200, %get3A_201] {strides = array<i32>} : memref<400x128xf32, #tpu.memory_space<vmem>>, vector<16xf32>,
      %add3A_203 = arith.constant 0 : i32
      %add3A_204 = arith.addi %mul3A_156, %add3A_203 : i32
      %mul3A_205 = arith.constant 4 : i32
      %mul3A_206 = arith.muli %add3A_204, %mul3A_205 : i32
      %add3A_207 = arith.constant 3 : i32
      %add3A_208 = arith.addi %mul3A_206, %add3A_207 : i32
      %get3A_209 = arith.index_cast %add3A_208 : i32 to index
      %get3A_210 = arith.index_cast %add3A_135 : i32 to index
      %get3A_211 = tpu.vector_load %arg6[%get3A_209, %get3A_210] {strides = array<i32>} : memref<400x128xf32, #tpu.memory_space<vmem>>, vector<16xf32>,
      %add3A_212 = arith.constant 1 : i32
      %add3A_213 = arith.addi %mul3A_156, %add3A_212 : i32
      %mul3A_214 = arith.constant 4 : i32
      %mul3A_215 = arith.muli %add3A_213, %mul3A_214 : i32
      %add3A_216 = arith.constant 0 : i32
      %add3A_217 = arith.addi %mul3A_215, %add3A_216 : i32
      %get3A_218 = arith.index_cast %add3A_217 : i32 to index
      %get3A_219 = arith.index_cast %add3A_135 : i32 to index
      %get3A_220 = tpu.vector_load %arg6[%get3A_218, %get3A_219] {strides = array<i32>} : memref<400x128xf32, #tpu.memory_space<vmem>>, vector<16xf32>,
      %add3A_221 = arith.constant 1 : i32
      %add3A_222 = arith.addi %mul3A_156, %add3A_221 : i32
      %mul3A_223 = arith.constant 4 : i32
      %mul3A_224 = arith.muli %add3A_222, %mul3A_223 : i32
      %add3A_225 = arith.constant 1 : i32
      %add3A_226 = arith.addi %mul3A_224, %add3A_225 : i32
      %get3A_227 = arith.index_cast %add3A_226 : i32 to index
      %get3A_228 = arith.index_cast %add3A_135 : i32 to index
      %get3A_229 = tpu.vector_load %arg6[%get3A_227, %get3A_228] {strides = array<i32>} : memref<400x128xf32, #tpu.memory_space<vmem>>, vector<16xf32>,
      %add3A_230 = arith.constant 1 : i32
      %add3A_231 = arith.addi %mul3A_156, %add3A_230 : i32
      %mul3A_232 = arith.constant 4 : i32
      %mul3A_233 = arith.muli %add3A_231, %mul3A_232 : i32
      %add3A_234 = arith.constant 2 : i32
      %add3A_235 = arith.addi %mul3A_233, %add3A_234 : i32
      %get3A_236 = arith.index_cast %add3A_235 : i32 to index
      %get3A_237 = arith.index_cast %add3A_135 : i32 to index
      %get3A_238 = tpu.vector_load %arg6[%get3A_236, %get3A_237] {strides = array<i32>} : memref<400x128xf32, #tpu.memory_space<vmem>>, vector<16xf32>,
      %add3A_239 = arith.constant 1 : i32
      %add3A_240 = arith.addi %mul3A_156, %add3A_239 : i32
      %mul3A_241 = arith.constant 4 : i32
      %mul3A_242 = arith.muli %add3A_240, %mul3A_241 : i32
      %add3A_243 = arith.constant 3 : i32
      %add3A_244 = arith.addi %mul3A_242, %add3A_243 : i32
      %get3A_245 = arith.index_cast %add3A_244 : i32 to index
      %get3A_246 = arith.index_cast %add3A_135 : i32 to index
      %get3A_247 = tpu.vector_load %arg6[%get3A_245, %get3A_246] {strides = array<i32>} : memref<400x128xf32, #tpu.memory_space<vmem>>, vector<16xf32>,
      %add3A_248 = arith.constant 2 : i32
      %add3A_249 = arith.addi %mul3A_156, %add3A_248 : i32
      %mul3A_250 = arith.constant 4 : i32
      %mul3A_251 = arith.muli %add3A_249, %mul3A_250 : i32
      %add3A_252 = arith.constant 0 : i32
      %add3A_253 = arith.addi %mul3A_251, %add3A_252 : i32
      %get3A_254 = arith.index_cast %add3A_253 : i32 to index
      %get3A_255 = arith.index_cast %add3A_135 : i32 to index
      %get3A_256 = tpu.vector_load %arg6[%get3A_254, %get3A_255] {strides = array<i32>} : memref<400x128xf32, #tpu.memory_space<vmem>>, vector<16xf32>,
      %add3A_257 = arith.constant 2 : i32
      %add3A_258 = arith.addi %mul3A_156, %add3A_257 : i32
      %mul3A_259 = arith.constant 4 : i32
      %mul3A_260 = arith.muli %add3A_258, %mul3A_259 : i32
      %add3A_261 = arith.constant 1 : i32
      %add3A_262 = arith.addi %mul3A_260, %add3A_261 : i32
      %get3A_263 = arith.index_cast %add3A_262 : i32 to index
      %get3A_264 = arith.index_cast %add3A_135 : i32 to index
      %get3A_265 = tpu.vector_load %arg6[%get3A_263, %get3A_264] {strides = array<i32>} : memref<400x128xf32, #tpu.memory_space<vmem>>, vector<16xf32>,
      %add3A_266 = arith.constant 2 : i32
      %add3A_267 = arith.addi %mul3A_156, %add3A_266 : i32
      %mul3A_268 = arith.constant 4 : i32
      %mul3A_269 = arith.muli %add3A_267, %mul3A_268 : i32
      %add3A_270 = arith.constant 2 : i32
      %add3A_271 = arith.addi %mul3A_269, %add3A_270 : i32
      %get3A_272 = arith.index_cast %add3A_271 : i32 to index
      %get3A_273 = arith.index_cast %add3A_135 : i32 to index
      %get3A_274 = tpu.vector_load %arg6[%get3A_272, %get3A_273] {strides = array<i32>} : memref<400x128xf32, #tpu.memory_space<vmem>>, vector<16xf32>,
      %add3A_275 = arith.constant 2 : i32
      %add3A_276 = arith.addi %mul3A_156, %add3A_275 : i32
      %mul3A_277 = arith.constant 4 : i32
      %mul3A_278 = arith.muli %add3A_276, %mul3A_277 : i32
      %add3A_279 = arith.constant 3 : i32
      %add3A_280 = arith.addi %mul3A_278, %add3A_279 : i32
      %get3A_281 = arith.index_cast %add3A_280 : i32 to index
      %get3A_282 = arith.index_cast %add3A_135 : i32 to index
      %get3A_283 = tpu.vector_load %arg6[%get3A_281, %get3A_282] {strides = array<i32>} : memref<400x128xf32, #tpu.memory_space<vmem>>, vector<16xf32>,
      %add3A_284 = arith.constant 3 : i32
      %add3A_285 = arith.addi %mul3A_156, %add3A_284 : i32
      %mul3A_286 = arith.constant 4 : i32
      %mul3A_287 = arith.muli %add3A_285, %mul3A_286 : i32
      %add3A_288 = arith.constant 0 : i32
      %add3A_289 = arith.addi %mul3A_287, %add3A_288 : i32
      %get3A_290 = arith.index_cast %add3A_289 : i32 to index
      %get3A_291 = arith.index_cast %add3A_135 : i32 to index
      %get3A_292 = tpu.vector_load %arg6[%get3A_290, %get3A_291] {strides = array<i32>} : memref<400x128xf32, #tpu.memory_space<vmem>>, vector<16xf32>,
      %add3A_293 = arith.constant 3 : i32
      %add3A_294 = arith.addi %mul3A_156, %add3A_293 : i32
      %mul3A_295 = arith.constant 4 : i32
      %mul3A_296 = arith.muli %add3A_294, %mul3A_295 : i32
      %add3A_297 = arith.constant 1 : i32
      %add3A_298 = arith.addi %mul3A_296, %add3A_297 : i32
      %get3A_299 = arith.index_cast %add3A_298 : i32 to index
      %get3A_300 = arith.index_cast %add3A_135 : i32 to index
      %get3A_301 = tpu.vector_load %arg6[%get3A_299, %get3A_300] {strides = array<i32>} : memref<400x128xf32, #tpu.memory_space<vmem>>, vector<16xf32>,
      %add3A_302 = arith.constant 3 : i32
      %add3A_303 = arith.addi %mul3A_156, %add3A_302 : i32
      %mul3A_304 = arith.constant 4 : i32
      %mul3A_305 = arith.muli %add3A_303, %mul3A_304 : i32
      %add3A_306 = arith.constant 2 : i32
      %add3A_307 = arith.addi %mul3A_305, %add3A_306 : i32
      %get3A_308 = arith.index_cast %add3A_307 : i32 to index
      %get3A_309 = arith.index_cast %add3A_135 : i32 to index
      %get3A_310 = tpu.vector_load %arg6[%get3A_308, %get3A_309] {strides = array<i32>} : memref<400x128xf32, #tpu.memory_space<vmem>>, vector<16xf32>,
      %add3A_311 = arith.constant 3 : i32
      %add3A_312 = arith.addi %mul3A_156, %add3A_311 : i32
      %mul3A_313 = arith.constant 4 : i32
      %mul3A_314 = arith.muli %add3A_312, %mul3A_313 : i32
      %add3A_315 = arith.constant 3 : i32
      %add3A_316 = arith.addi %mul3A_314, %add3A_315 : i32
      %get3A_317 = arith.index_cast %add3A_316 : i32 to index
      %get3A_318 = arith.index_cast %add3A_135 : i32 to index
      %get3A_319 = tpu.vector_load %arg6[%get3A_317, %get3A_318] {strides = array<i32>} : memref<400x128xf32, #tpu.memory_space<vmem>>, vector<16xf32>,
      %sub3A_320 = arith.constant -1.500000e+01 : f32
      %sub3A_321 = vector.broadcast %sub3A_320 : f32 to vector<16xf32>
      %sub3A_322 = arith.subf %get3A_160, %sub3A_321 : vector<16xf32>
      %mul3A_323 = arith.constant 8.53333377 : f32
      %mul3A_324 = vector.broadcast %mul3A_323 : f32 to vector<16xf32>
      %mul3A_325 = arith.mulf %sub3A_322, %mul3A_324 : vector<16xf32>
      %convert_element_type3A = arith.fptosi %mul3A_325 : vector<16xf32> to vector<16xi32>
      %convert_element_type3A_326 = arith.sitofp %convert_element_type3A : vector<16xi32> to vector<16xf32>
      %mul3A_327 = arith.constant 0.1171875 : f32
      %mul3A_328 = vector.broadcast %mul3A_327 : f32 to vector<16xf32>
      %mul3A_329 = arith.mulf %convert_element_type3A_326, %mul3A_328 : vector<16xf32>
      %add3A_330 = arith.constant -1.500000e+01 : f32
      %add3A_331 = vector.broadcast %add3A_330 : f32 to vector<16xf32>
      %add3A_332 = arith.addf %mul3A_329, %add3A_331 : vector<16xf32>
      %lt3A_333 = arith.cmpf olt, %get3A_160, %add3A_332 : vector<16xf32>
      %jit3A_334 = arith.constant 1 : i32
      %jit3A_335 = arith.constant 0 : i32
      %broadcast_in_dim3A_336 = vector.broadcast %jit3A_334 : i32 to vector<16xi32>
      %broadcast_in_dim3A_337 = vector.broadcast %jit3A_335 : i32 to vector<16xi32>
      %select_n3A_338 = arith.select %lt3A_333, %broadcast_in_dim3A_336, %broadcast_in_dim3A_337 : vector<16xi1>, vector<16xi32>
      %sub3A_339 = arith.subi %convert_element_type3A, %select_n3A_338 : vector<16xi32>
      %add3A_340 = arith.constant 0.1171875 : f32
      %add3A_341 = vector.broadcast %add3A_340 : f32 to vector<16xf32>
      %add3A_342 = arith.addf %add3A_332, %add3A_341 : vector<16xf32>
      %ge3A = arith.cmpf oge, %get3A_160, %add3A_342 : vector<16xf32>
      %jit3A_343 = arith.constant 1 : i32
      %jit3A_344 = arith.constant 0 : i32
      %broadcast_in_dim3A_345 = vector.broadcast %jit3A_343 : i32 to vector<16xi32>
      %broadcast_in_dim3A_346 = vector.broadcast %jit3A_344 : i32 to vector<16xi32>
      %select_n3A_347 = arith.select %ge3A, %broadcast_in_dim3A_345, %broadcast_in_dim3A_346 : vector<16xi1>, vector<16xi32>
      %add3A_348 = arith.addi %sub3A_339, %select_n3A_347 : vector<16xi32>
      %max3A = arith.constant 0 : i32
      %max3A_349 = vector.broadcast %max3A : i32 to vector<16xi32>
      %max3A_350 = arith.maxsi %add3A_348, %max3A_349 : vector<16xi32>
      %min3A = arith.constant 255 : i32
      %min3A_351 = vector.broadcast %min3A : i32 to vector<16xi32>
      %min3A_352 = arith.minsi %max3A_350, %min3A_351 : vector<16xi32>
      %sub3A_353 = arith.constant -1.500000e+01 : f32
      %sub3A_354 = vector.broadcast %sub3A_353 : f32 to vector<16xf32>
      %sub3A_355 = arith.subf %get3A_165, %sub3A_354 : vector<16xf32>
      %mul3A_356 = arith.constant 8.53333377 : f32
      %mul3A_357 = vector.broadcast %mul3A_356 : f32 to vector<16xf32>
      %mul3A_358 = arith.mulf %sub3A_355, %mul3A_357 : vector<16xf32>
      %convert_element_type3A_359 = arith.fptosi %mul3A_358 : vector<16xf32> to vector<16xi32>
      %convert_element_type3A_360 = arith.sitofp %convert_element_type3A_359 : vector<16xi32> to vector<16xf32>
      %mul3A_361 = arith.constant 0.1171875 : f32
      %mul3A_362 = vector.broadcast %mul3A_361 : f32 to vector<16xf32>
      %mul3A_363 = arith.mulf %convert_element_type3A_360, %mul3A_362 : vector<16xf32>
      %add3A_364 = arith.constant -1.500000e+01 : f32
      %add3A_365 = vector.broadcast %add3A_364 : f32 to vector<16xf32>
      %add3A_366 = arith.addf %mul3A_363, %add3A_365 : vector<16xf32>
      %lt3A_367 = arith.cmpf olt, %get3A_165, %add3A_366 : vector<16xf32>
      %jit3A_368 = arith.constant 1 : i32
      %jit3A_369 = arith.constant 0 : i32
      %broadcast_in_dim3A_370 = vector.broadcast %jit3A_368 : i32 to vector<16xi32>
      %broadcast_in_dim3A_371 = vector.broadcast %jit3A_369 : i32 to vector<16xi32>
      %select_n3A_372 = arith.select %lt3A_367, %broadcast_in_dim3A_370, %broadcast_in_dim3A_371 : vector<16xi1>, vector<16xi32>
      %sub3A_373 = arith.subi %convert_element_type3A_359, %select_n3A_372 : vector<16xi32>
      %add3A_374 = arith.constant 0.1171875 : f32
      %add3A_375 = vector.broadcast %add3A_374 : f32 to vector<16xf32>
      %add3A_376 = arith.addf %add3A_366, %add3A_375 : vector<16xf32>
      %ge3A_377 = arith.cmpf oge, %get3A_165, %add3A_376 : vector<16xf32>
      %jit3A_378 = arith.constant 1 : i32
      %jit3A_379 = arith.constant 0 : i32
      %broadcast_in_dim3A_380 = vector.broadcast %jit3A_378 : i32 to vector<16xi32>
      %broadcast_in_dim3A_381 = vector.broadcast %jit3A_379 : i32 to vector<16xi32>
      %select_n3A_382 = arith.select %ge3A_377, %broadcast_in_dim3A_380, %broadcast_in_dim3A_381 : vector<16xi1>, vector<16xi32>
      %add3A_383 = arith.addi %sub3A_373, %select_n3A_382 : vector<16xi32>
      %max3A_384 = arith.constant 0 : i32
      %max3A_385 = vector.broadcast %max3A_384 : i32 to vector<16xi32>
      %max3A_386 = arith.maxsi %add3A_383, %max3A_385 : vector<16xi32>
      %min3A_387 = arith.constant 255 : i32
      %min3A_388 = vector.broadcast %min3A_387 : i32 to vector<16xi32>
      %min3A_389 = arith.minsi %max3A_386, %min3A_388 : vector<16xi32>
      %sub3A_390 = arith.constant -1.500000e+01 : f32
      %sub3A_391 = vector.broadcast %sub3A_390 : f32 to vector<16xf32>
      %sub3A_392 = arith.subf %get3A_170, %sub3A_391 : vector<16xf32>
      %mul3A_393 = arith.constant 8.53333377 : f32
      %mul3A_394 = vector.broadcast %mul3A_393 : f32 to vector<16xf32>
      %mul3A_395 = arith.mulf %sub3A_392, %mul3A_394 : vector<16xf32>
      %convert_element_type3A_396 = arith.fptosi %mul3A_395 : vector<16xf32> to vector<16xi32>
      %convert_element_type3A_397 = arith.sitofp %convert_element_type3A_396 : vector<16xi32> to vector<16xf32>
      %mul3A_398 = arith.constant 0.1171875 : f32
      %mul3A_399 = vector.broadcast %mul3A_398 : f32 to vector<16xf32>
      %mul3A_400 = arith.mulf %convert_element_type3A_397, %mul3A_399 : vector<16xf32>
      %add3A_401 = arith.constant -1.500000e+01 : f32
      %add3A_402 = vector.broadcast %add3A_401 : f32 to vector<16xf32>
      %add3A_403 = arith.addf %mul3A_400, %add3A_402 : vector<16xf32>
      %lt3A_404 = arith.cmpf olt, %get3A_170, %add3A_403 : vector<16xf32>
      %jit3A_405 = arith.constant 1 : i32
      %jit3A_406 = arith.constant 0 : i32
      %broadcast_in_dim3A_407 = vector.broadcast %jit3A_405 : i32 to vector<16xi32>
      %broadcast_in_dim3A_408 = vector.broadcast %jit3A_406 : i32 to vector<16xi32>
      %select_n3A_409 = arith.select %lt3A_404, %broadcast_in_dim3A_407, %broadcast_in_dim3A_408 : vector<16xi1>, vector<16xi32>
      %sub3A_410 = arith.subi %convert_element_type3A_396, %select_n3A_409 : vector<16xi32>
      %add3A_411 = arith.constant 0.1171875 : f32
      %add3A_412 = vector.broadcast %add3A_411 : f32 to vector<16xf32>
      %add3A_413 = arith.addf %add3A_403, %add3A_412 : vector<16xf32>
      %ge3A_414 = arith.cmpf oge, %get3A_170, %add3A_413 : vector<16xf32>
      %jit3A_415 = arith.constant 1 : i32
      %jit3A_416 = arith.constant 0 : i32
      %broadcast_in_dim3A_417 = vector.broadcast %jit3A_415 : i32 to vector<16xi32>
      %broadcast_in_dim3A_418 = vector.broadcast %jit3A_416 : i32 to vector<16xi32>
      %select_n3A_419 = arith.select %ge3A_414, %broadcast_in_dim3A_417, %broadcast_in_dim3A_418 : vector<16xi1>, vector<16xi32>
      %add3A_420 = arith.addi %sub3A_410, %select_n3A_419 : vector<16xi32>
      %max3A_421 = arith.constant 0 : i32
      %max3A_422 = vector.broadcast %max3A_421 : i32 to vector<16xi32>
      %max3A_423 = arith.maxsi %add3A_420, %max3A_422 : vector<16xi32>
      %min3A_424 = arith.constant 255 : i32
      %min3A_425 = vector.broadcast %min3A_424 : i32 to vector<16xi32>
      %min3A_426 = arith.minsi %max3A_423, %min3A_425 : vector<16xi32>
      %sub3A_427 = arith.constant -1.500000e+01 : f32
      %sub3A_428 = vector.broadcast %sub3A_427 : f32 to vector<16xf32>
      %sub3A_429 = arith.subf %get3A_175, %sub3A_428 : vector<16xf32>
      %mul3A_430 = arith.constant 8.53333377 : f32
      %mul3A_431 = vector.broadcast %mul3A_430 : f32 to vector<16xf32>
      %mul3A_432 = arith.mulf %sub3A_429, %mul3A_431 : vector<16xf32>
      %convert_element_type3A_433 = arith.fptosi %mul3A_432 : vector<16xf32> to vector<16xi32>
      %convert_element_type3A_434 = arith.sitofp %convert_element_type3A_433 : vector<16xi32> to vector<16xf32>
      %mul3A_435 = arith.constant 0.1171875 : f32
      %mul3A_436 = vector.broadcast %mul3A_435 : f32 to vector<16xf32>
      %mul3A_437 = arith.mulf %convert_element_type3A_434, %mul3A_436 : vector<16xf32>
      %add3A_438 = arith.constant -1.500000e+01 : f32
      %add3A_439 = vector.broadcast %add3A_438 : f32 to vector<16xf32>
      %add3A_440 = arith.addf %mul3A_437, %add3A_439 : vector<16xf32>
      %lt3A_441 = arith.cmpf olt, %get3A_175, %add3A_440 : vector<16xf32>
      %jit3A_442 = arith.constant 1 : i32
      %jit3A_443 = arith.constant 0 : i32
      %broadcast_in_dim3A_444 = vector.broadcast %jit3A_442 : i32 to vector<16xi32>
      %broadcast_in_dim3A_445 = vector.broadcast %jit3A_443 : i32 to vector<16xi32>
      %select_n3A_446 = arith.select %lt3A_441, %broadcast_in_dim3A_444, %broadcast_in_dim3A_445 : vector<16xi1>, vector<16xi32>
      %sub3A_447 = arith.subi %convert_element_type3A_433, %select_n3A_446 : vector<16xi32>
      %add3A_448 = arith.constant 0.1171875 : f32
      %add3A_449 = vector.broadcast %add3A_448 : f32 to vector<16xf32>
      %add3A_450 = arith.addf %add3A_440, %add3A_449 : vector<16xf32>
      %ge3A_451 = arith.cmpf oge, %get3A_175, %add3A_450 : vector<16xf32>
      %jit3A_452 = arith.constant 1 : i32
      %jit3A_453 = arith.constant 0 : i32
      %broadcast_in_dim3A_454 = vector.broadcast %jit3A_452 : i32 to vector<16xi32>
      %broadcast_in_dim3A_455 = vector.broadcast %jit3A_453 : i32 to vector<16xi32>
      %select_n3A_456 = arith.select %ge3A_451, %broadcast_in_dim3A_454, %broadcast_in_dim3A_455 : vector<16xi1>, vector<16xi32>
      %add3A_457 = arith.addi %sub3A_447, %select_n3A_456 : vector<16xi32>
      %max3A_458 = arith.constant 0 : i32
      %max3A_459 = vector.broadcast %max3A_458 : i32 to vector<16xi32>
      %max3A_460 = arith.maxsi %add3A_457, %max3A_459 : vector<16xi32>
      %min3A_461 = arith.constant 255 : i32
      %min3A_462 = vector.broadcast %min3A_461 : i32 to vector<16xi32>
      %min3A_463 = arith.minsi %max3A_460, %min3A_462 : vector<16xi32>
      %and3A_464 = arith.constant 128 : i32
      %and3A_465 = vector.broadcast %and3A_464 : i32 to vector<16xi32>
      %and3A_466 = arith.andi %min3A_352, %and3A_465 : vector<16xi32>
      %shift_left3A = arith.constant 2 : i32
      %shift_left3A_467 = vector.broadcast %shift_left3A : i32 to vector<16xi32>
      %shift_left3A_468 = arith.shli %and3A_466, %shift_left3A_467 : vector<16xi32>
      %add3A_469 = arith.addi %mul3A_133, %shift_left3A_468 : vector<16xi32>
      %and3A_470 = arith.constant 127 : i32
      %and3A_471 = vector.broadcast %and3A_470 : i32 to vector<16xi32>
      %and3A_472 = arith.andi %min3A_352, %and3A_471 : vector<16xi32>
      %add3A_473 = arith.addi %add3A_469, %and3A_472 : vector<16xi32>
      %add3A_474 = arith.constant 0 : i32
      %add3A_475 = vector.broadcast %add3A_474 : i32 to vector<16xi32>
      %add3A_476 = arith.addi %add3A_473, %add3A_475 : vector<16xi32>
      tpu.vector_store_idx %arg7[%add3A_476], %get3A_184 {add = true} : memref<32768xf32, #tpu.memory_space<vmem>>[vector<16xi32>], vector<16xf32>,
      %add3A_477 = arith.constant 128 : i32
      %add3A_478 = vector.broadcast %add3A_477 : i32 to vector<16xi32>
      %add3A_479 = arith.addi %add3A_473, %add3A_478 : vector<16xi32>
      tpu.vector_store_idx %arg7[%add3A_479], %get3A_193 {add = true} : memref<32768xf32, #tpu.memory_space<vmem>>[vector<16xi32>], vector<16xf32>,
      %add3A_480 = arith.constant 256 : i32
      %add3A_481 = vector.broadcast %add3A_480 : i32 to vector<16xi32>
      %add3A_482 = arith.addi %add3A_473, %add3A_481 : vector<16xi32>
      tpu.vector_store_idx %arg7[%add3A_482], %get3A_202 {add = true} : memref<32768xf32, #tpu.memory_space<vmem>>[vector<16xi32>], vector<16xf32>,
      %add3A_483 = arith.constant 384 : i32
      %add3A_484 = vector.broadcast %add3A_483 : i32 to vector<16xi32>
      %add3A_485 = arith.addi %add3A_473, %add3A_484 : vector<16xi32>
      tpu.vector_store_idx %arg7[%add3A_485], %get3A_211 {add = true} : memref<32768xf32, #tpu.memory_space<vmem>>[vector<16xi32>], vector<16xf32>,
      %and3A_486 = arith.constant 128 : i32
      %and3A_487 = vector.broadcast %and3A_486 : i32 to vector<16xi32>
      %and3A_488 = arith.andi %min3A_389, %and3A_487 : vector<16xi32>
      %shift_left3A_489 = arith.constant 2 : i32
      %shift_left3A_490 = vector.broadcast %shift_left3A_489 : i32 to vector<16xi32>
      %shift_left3A_491 = arith.shli %and3A_488, %shift_left3A_490 : vector<16xi32>
      %add3A_492 = arith.addi %mul3A_133, %shift_left3A_491 : vector<16xi32>
      %and3A_493 = arith.constant 127 : i32
      %and3A_494 = vector.broadcast %and3A_493 : i32 to vector<16xi32>
      %and3A_495 = arith.andi %min3A_389, %and3A_494 : vector<16xi32>
      %add3A_496 = arith.addi %add3A_492, %and3A_495 : vector<16xi32>
      %add3A_497 = arith.constant 0 : i32
      %add3A_498 = vector.broadcast %add3A_497 : i32 to vector<16xi32>
      %add3A_499 = arith.addi %add3A_496, %add3A_498 : vector<16xi32>
      tpu.vector_store_idx %arg7[%add3A_499], %get3A_220 {add = true} : memref<32768xf32, #tpu.memory_space<vmem>>[vector<16xi32>], vector<16xf32>,
      %add3A_500 = arith.constant 128 : i32
      %add3A_501 = vector.broadcast %add3A_500 : i32 to vector<16xi32>
      %add3A_502 = arith.addi %add3A_496, %add3A_501 : vector<16xi32>
      tpu.vector_store_idx %arg7[%add3A_502], %get3A_229 {add = true} : memref<32768xf32, #tpu.memory_space<vmem>>[vector<16xi32>], vector<16xf32>,
      %add3A_503 = arith.constant 256 : i32
      %add3A_504 = vector.broadcast %add3A_503 : i32 to vector<16xi32>
      %add3A_505 = arith.addi %add3A_496, %add3A_504 : vector<16xi32>
      tpu.vector_store_idx %arg7[%add3A_505], %get3A_238 {add = true} : memref<32768xf32, #tpu.memory_space<vmem>>[vector<16xi32>], vector<16xf32>,
      %add3A_506 = arith.constant 384 : i32
      %add3A_507 = vector.broadcast %add3A_506 : i32 to vector<16xi32>
      %add3A_508 = arith.addi %add3A_496, %add3A_507 : vector<16xi32>
      tpu.vector_store_idx %arg7[%add3A_508], %get3A_247 {add = true} : memref<32768xf32, #tpu.memory_space<vmem>>[vector<16xi32>], vector<16xf32>,
      %and3A_509 = arith.constant 128 : i32
      %and3A_510 = vector.broadcast %and3A_509 : i32 to vector<16xi32>
      %and3A_511 = arith.andi %min3A_426, %and3A_510 : vector<16xi32>
      %shift_left3A_512 = arith.constant 2 : i32
      %shift_left3A_513 = vector.broadcast %shift_left3A_512 : i32 to vector<16xi32>
      %shift_left3A_514 = arith.shli %and3A_511, %shift_left3A_513 : vector<16xi32>
      %add3A_515 = arith.addi %mul3A_133, %shift_left3A_514 : vector<16xi32>
      %and3A_516 = arith.constant 127 : i32
      %and3A_517 = vector.broadcast %and3A_516 : i32 to vector<16xi32>
      %and3A_518 = arith.andi %min3A_426, %and3A_517 : vector<16xi32>
      %add3A_519 = arith.addi %add3A_515, %and3A_518 : vector<16xi32>
      %add3A_520 = arith.constant 0 : i32
      %add3A_521 = vector.broadcast %add3A_520 : i32 to vector<16xi32>
      %add3A_522 = arith.addi %add3A_519, %add3A_521 : vector<16xi32>
      tpu.vector_store_idx %arg7[%add3A_522], %get3A_256 {add = true} : memref<32768xf32, #tpu.memory_space<vmem>>[vector<16xi32>], vector<16xf32>,
      %add3A_523 = arith.constant 128 : i32
      %add3A_524 = vector.broadcast %add3A_523 : i32 to vector<16xi32>
      %add3A_525 = arith.addi %add3A_519, %add3A_524 : vector<16xi32>
      tpu.vector_store_idx %arg7[%add3A_525], %get3A_265 {add = true} : memref<32768xf32, #tpu.memory_space<vmem>>[vector<16xi32>], vector<16xf32>,
      %add3A_526 = arith.constant 256 : i32
      %add3A_527 = vector.broadcast %add3A_526 : i32 to vector<16xi32>
      %add3A_528 = arith.addi %add3A_519, %add3A_527 : vector<16xi32>
      tpu.vector_store_idx %arg7[%add3A_528], %get3A_274 {add = true} : memref<32768xf32, #tpu.memory_space<vmem>>[vector<16xi32>], vector<16xf32>,
      %add3A_529 = arith.constant 384 : i32
      %add3A_530 = vector.broadcast %add3A_529 : i32 to vector<16xi32>
      %add3A_531 = arith.addi %add3A_519, %add3A_530 : vector<16xi32>
      tpu.vector_store_idx %arg7[%add3A_531], %get3A_283 {add = true} : memref<32768xf32, #tpu.memory_space<vmem>>[vector<16xi32>], vector<16xf32>,
      %and3A_532 = arith.constant 128 : i32
      %and3A_533 = vector.broadcast %and3A_532 : i32 to vector<16xi32>
      %and3A_534 = arith.andi %min3A_463, %and3A_533 : vector<16xi32>
      %shift_left3A_535 = arith.constant 2 : i32
      %shift_left3A_536 = vector.broadcast %shift_left3A_535 : i32 to vector<16xi32>
      %shift_left3A_537 = arith.shli %and3A_534, %shift_left3A_536 : vector<16xi32>
      %add3A_538 = arith.addi %mul3A_133, %shift_left3A_537 : vector<16xi32>
      %and3A_539 = arith.constant 127 : i32
      %and3A_540 = vector.broadcast %and3A_539 : i32 to vector<16xi32>
      %and3A_541 = arith.andi %min3A_463, %and3A_540 : vector<16xi32>
      %add3A_542 = arith.addi %add3A_538, %and3A_541 : vector<16xi32>
      %add3A_543 = arith.constant 0 : i32
      %add3A_544 = vector.broadcast %add3A_543 : i32 to vector<16xi32>
      %add3A_545 = arith.addi %add3A_542, %add3A_544 : vector<16xi32>
      tpu.vector_store_idx %arg7[%add3A_545], %get3A_292 {add = true} : memref<32768xf32, #tpu.memory_space<vmem>>[vector<16xi32>], vector<16xf32>,
      %add3A_546 = arith.constant 128 : i32
      %add3A_547 = vector.broadcast %add3A_546 : i32 to vector<16xi32>
      %add3A_548 = arith.addi %add3A_542, %add3A_547 : vector<16xi32>
      tpu.vector_store_idx %arg7[%add3A_548], %get3A_301 {add = true} : memref<32768xf32, #tpu.memory_space<vmem>>[vector<16xi32>], vector<16xf32>,
      %add3A_549 = arith.constant 256 : i32
      %add3A_550 = vector.broadcast %add3A_549 : i32 to vector<16xi32>
      %add3A_551 = arith.addi %add3A_542, %add3A_550 : vector<16xi32>
      tpu.vector_store_idx %arg7[%add3A_551], %get3A_310 {add = true} : memref<32768xf32, #tpu.memory_space<vmem>>[vector<16xi32>], vector<16xf32>,
      %add3A_552 = arith.constant 384 : i32
      %add3A_553 = vector.broadcast %add3A_552 : i32 to vector<16xi32>
      %add3A_554 = arith.addi %add3A_542, %add3A_553 : vector<16xi32>
      tpu.vector_store_idx %arg7[%add3A_554], %get3A_319 {add = true} : memref<32768xf32, #tpu.memory_space<vmem>>[vector<16xi32>], vector<16xf32>,
      %scan3A_555 = arith.constant 0 : i32
      scf.yield %scan3A_555 : i32
    }
    %scan3A_142 = arith.constant 25 : i32
    %dma_wait3A_143 = arith.constant 0 : i32
    %dma_wait3A_144 = tpu.memref_slice %arg7[%dma_wait3A_143] : memref<32768xf32, #tpu.memory_space<vmem>> -> memref<16384xf32, #tpu.memory_space<vmem>>
    %dma_wait3A_145 = tpu.memref_slice %arg4[%mul3A_121] : memref<1048576xf32, #tpu.memory_space<hbm>> -> memref<16384xf32, #tpu.memory_space<hbm>>
    %dma_wait3A_146 = tpu.memref_slice %arg4[%mul3A_121] : memref<1048576xf32, #tpu.memory_space<hbm>> -> memref<16384xf32, #tpu.memory_space<hbm>>
    %dma_wait3A_147 = arith.constant 0 : i32
    %dma_wait3A_148 = tpu.memref_slice %arg7[%dma_wait3A_147] : memref<32768xf32, #tpu.memory_space<vmem>> -> memref<16384xf32, #tpu.memory_space<vmem>>
    tpu.wait_dma2 semaphore(%arg11 : memref<!tpu.dma_semaphore, #tpu.memory_space<semaphore_mem>>) src(%dma_wait3A_148 : memref<16384xf32, #tpu.memory_space<vmem>>) dst(%dma_wait3A_146 : memref<16384xf32, #tpu.memory_space<hbm>>)
    %mul3A_149 = arith.constant 1024 : i32
    %mul3A_150 = arith.muli %mul3A_2, %mul3A_149 : i32
    %add3A_151 = arith.constant 16384 : i32
    %add3A_152 = arith.addi %mul3A_150, %add3A_151 : i32
    "tpu.region"() ({
      %run_scoped3A = tpu.sem_alloc : memref<!tpu.dma_semaphore, #tpu.memory_space<semaphore_mem>>
      %dma_start3A_153 = arith.constant 16384 : i32
      %dma_start3A_154 = tpu.memref_slice %arg7[%dma_start3A_153] : memref<32768xf32, #tpu.memory_space<vmem>> -> memref<16384xf32, #tpu.memory_space<vmem>>
      %dma_start3A_155 = tpu.memref_slice %arg4[%add3A_152] : memref<1048576xf32, #tpu.memory_space<hbm>> -> memref<16384xf32, #tpu.memory_space<hbm>>
      %dma_start3A_156 = tpu.memref_slice %arg4[%add3A_152] : memref<1048576xf32, #tpu.memory_space<hbm>> -> memref<16384xf32, #tpu.memory_space<hbm>>
      %dma_start3A_157 = arith.constant 16384 : i32
      %dma_start3A_158 = tpu.memref_slice %arg7[%dma_start3A_157] : memref<32768xf32, #tpu.memory_space<vmem>> -> memref<16384xf32, #tpu.memory_space<vmem>>
      tpu.enqueue_dma source(%dma_start3A_158 : memref<16384xf32, #tpu.memory_space<vmem>>) target(%dma_start3A_156 : memref<16384xf32, #tpu.memory_space<hbm>>) target_semaphore(%run_scoped3A : memref<!tpu.dma_semaphore, #tpu.memory_space<semaphore_mem>>)
      %dma_wait3A_159 = arith.constant 16384 : i32
      %dma_wait3A_160 = tpu.memref_slice %arg7[%dma_wait3A_159] : memref<32768xf32, #tpu.memory_space<vmem>> -> memref<16384xf32, #tpu.memory_space<vmem>>
      %dma_wait3A_161 = tpu.memref_slice %arg4[%add3A_152] : memref<1048576xf32, #tpu.memory_space<hbm>> -> memref<16384xf32, #tpu.memory_space<hbm>>
      %dma_wait3A_162 = tpu.memref_slice %arg4[%add3A_152] : memref<1048576xf32, #tpu.memory_space<hbm>> -> memref<16384xf32, #tpu.memory_space<hbm>>
      %dma_wait3A_163 = arith.constant 16384 : i32
      %dma_wait3A_164 = tpu.memref_slice %arg7[%dma_wait3A_163] : memref<32768xf32, #tpu.memory_space<vmem>> -> memref<16384xf32, #tpu.memory_space<vmem>>
      tpu.wait_dma2 semaphore(%run_scoped3A : memref<!tpu.dma_semaphore, #tpu.memory_space<semaphore_mem>>) src(%dma_wait3A_164 : memref<16384xf32, #tpu.memory_space<vmem>>) dst(%dma_wait3A_162 : memref<16384xf32, #tpu.memory_space<hbm>>)
      tpu.yield
    }) : () -> ()
    return
  }
}

</mosaic_0001>

<sc_bundles>
// kernel: kernel.3.cloned.1.call-start
scs
__scs_entry_jumppad:
0x0: {  	(pc) =	sbr.rel $0x88, $3  }
0x1: {  	(tag) =	ssettag $0x0;
	lr =	simm.s32 $0x1  }
0x2: {  	[smem:$0x3F9F] =	sst lr;
	_ =	strace $0xD0000000  }
0x3: {  	_ = 	snop  }
0x4: {  	_ = 	snop  }
0x5: {  	_ = 	snop  }
0x6: {  	_ = 	snop  }
0x7: {  	_ = 	snop  }
__scs_overlays_trampoline_lowered:
0x8: {  	[smem:$0x3FAE] =	sst s0  }
0x9: {  	[smem:$0x3FAF] =	sst s1  }
0xa: {  	[smem:$0x3FB0] =	sst s2  }
0xb: {  	[smem:$0x3FB1] =	sst s3  }
0xc: {  	[smem:$0x3FB2] =	sst s4  }
0xd: {  	[smem:$0x3FB3] =	sst s5  }
0xe: {  	[smem:$0x3FB4] =	sst s6  }
0xf: {  	[smem:$0x3FB5] =	sst s7  }
0x10: {  	[smem:$0x3FB6] =	sst s8  }
0x11: {  	[smem:$0x3FB7] =	sst s9;
	s0 =	simm.s32 @!p0 $0x0  }
0x12: {  	s1 =	sld [smem:$0x3F9D];
	s0 =	simm.s32 @p0 $0x1  }
0x13: {  	[smem:$0x3FB8] =	sst s0;
	s0 =	simm.s32 @!p1 $0x0  }
0x14: {  	s2 =	sld [smem:$0x3F9C];
	s0 =	simm.s32 @p1 $0x1  }
0x15: {  	[smem:$0x3FB9] =	sst s0;
	s0 =	simm.s32 @!p2 $0x0  }
0x16: {  	s3 =	sld [smem:$0x3FDB];
	s0 =	simm.s32 @p2 $0x1  }
0x17: {  	s4 =	simm.s32 $0x1BF5;
	[smem:$0x3FBB] =	sst s0  }
0x18: {  	s0 =	sld [smem:$0x3F9E];
	_ =	swait.ge [sflag:s4], $0x0  }
0x19: {  	s7 =	sld [smem:$0x3F9F]  }
0x1a: {  	s8 =	sadd.s32 $0xFFFFE003, lr  }
0x1b: {  	s9 =	sadd.s32 $0xFFFFFEF7, lr;
	s5 =	simm.s32 $0xFFFFFFFF;
	p2 =	slt.u32 s8, $0xFFFFF086  }
0x1c: {  	p1 =	slt.u32 s9, $0xF7A;
	s5 =	simm.s32 @!p2 $0x0  }
0x1d: {  	s5 =	simm.s32 @p1 $0x1;
	p0 =	seq.s32 s7, s2  }
0x1e: {  	s7 =	smul.u32 @!p0 $0xF7A, s2;
	p2 =	seq.s32 @!p0 s5, $0x0  }
0x1f: {  	s9 =	smul.u32 $0xF7A, s1;
	s8 =	simm.s32 @!p0 $0x1BF5;
	p2 =	por !p2, p0  }
0x20: {  	[sflag:s8] =	ssyncset.s32 @!p0 $0xFFFFF086;
	s6 =	sadd.s32 @!p0 s3, s7;
	s7 =	simm.s32 @!p0 $0x108  }
0x21: {  	s3 =	sadd.s32 s3, s9;
	s6 =	sadd.s32 @!p0 $0x88, s6;
	s7 =	simm.s32 @p2 $0x1082  }
0x22: {  	[simem:s7], [sflag:s8] =	dma.local @!p0 [hbm:s6], $0xF7A  }
0x23: {  	s9 =	sor.u32 $0xD0000000, s2;
	s6 =	simm.s32 $0x108;
	_ =	swait.ge @!p0 [sflag:s8], $0x0  }
0x24: {  	s3 =	sadd.s32 $0x88, s3;
	s6 =	simm.s32 @!p1 $0x1082;
	[sflag:s4] =	ssyncset.s32 $0xFFFFF086  }
0x25: {  	[simem:s6], [sflag:s4] =	dma.local [hbm:s3], $0xF7A  }
0x26: {  	[smem:$0x3F9F] =	sst s1;
	(tag) =	ssettag s2;
	_ =	strace s9  }
0x27: {  	s1 =	sld [smem:$0x3FAF]  }
0x28: {  	s2 =	sld [smem:$0x3FB0]  }
0x29: {  	s4 =	sld [smem:$0x3FB2]  }
0x2a: {  	p0 =	seq.s32 s5, $0x0;
	s5 =	sld [smem:$0x3FB3]  }
0x2b: {  	s6 =	sld [smem:$0x3FB4]  }
0x2c: {  	s7 =	sld [smem:$0x3FB5]  }
0x2d: {  	s3 =	simm.s32 $0x108;
	s8 =	sld [smem:$0x3FB6]  }
0x2e: {  	s3 =	simm.s32 @!p0 $0x1082;
	s9 =	sld [smem:$0x3FB7]  }
0x2f: {  	lr =	sadd.s32 s0, s3;
	s0 =	sld [smem:$0x3FAE]  }
0x30: {  	s3 =	sld [smem:$0x3FB1]  }
0x31: {  	[smem:$0x3FBA] =	sst s10  }
0x32: {  	s10 =	sld [smem:$0x3FB8];
	_ =	sdelay $0x3  }
0x33: {  	p0 =	seq.s32 s10, $0x1;
	s10 =	sld [smem:$0x3FBA];
	_ =	sdelay $0x3  }
0x34: {  	[smem:$0x3FBA] =	sst s10  }
0x35: {  	s10 =	sld [smem:$0x3FB9];
	_ =	sdelay $0x3  }
0x36: {  	p1 =	seq.s32 s10, $0x1;
	s10 =	sld [smem:$0x3FBA];
	_ =	sdelay $0x3  }
0x37: {  	[smem:$0x3FBA] =	sst s10  }
0x38: {  	s10 =	sld [smem:$0x3FBB]  }
0x39: {  	_ = 	snop;
	(pc) =	sbr.ind lr, $3  }
0x3a: {  	_ = 	snop  }
0x3b: {  	_ = 	snop  }
0x3c: {  	p2 =	seq.s32 s10, $0x1;
	s10 =	sld [smem:$0x3FBA]  }
0x3d: {  	_ =	shalt  }
0x3e: {  	_ =	shalt  }
0x3f: {  	_ =	shalt  }
0x40: {  	_ =	shalt  }
0x41: {  	_ =	shalt  }
0x42: {  	_ =	shalt  }
0x43: {  	_ =	shalt  }
0x44: {  	_ =	shalt  }
0x45: {  	_ =	shalt  }
0x46: {  	_ =	shalt  }
0x47: {  	_ =	shalt  }
0x48: {  	_ =	shalt  }
0x49: {  	_ =	shalt  }
0x4a: {  	_ =	shalt  }
0x4b: {  	_ =	shalt  }
0x4c: {  	_ =	shalt  }
0x4d: {  	_ =	shalt  }
0x4e: {  	_ =	shalt  }
0x4f: {  	_ =	shalt  }
0x50: {  	_ =	shalt  }
0x51: {  	_ =	shalt  }
0x52: {  	_ =	shalt  }
0x53: {  	_ =	shalt  }
0x54: {  	_ =	shalt  }
0x55: {  	_ =	shalt  }
0x56: {  	_ =	shalt  }
0x57: {  	_ =	shalt  }
0x58: {  	_ =	shalt  }
0x59: {  	_ =	shalt  }
0x5a: {  	_ =	shalt  }
0x5b: {  	_ =	shalt  }
0x5c: {  	_ =	shalt  }
0x5d: {  	_ =	shalt  }
0x5e: {  	_ =	shalt  }
0x5f: {  	_ =	shalt  }
0x60: {  	_ =	shalt  }
0x61: {  	_ =	shalt  }
0x62: {  	_ =	shalt  }
0x63: {  	_ =	shalt  }
0x64: {  	_ =	shalt  }
0x65: {  	_ =	shalt  }
0x66: {  	_ =	shalt  }
0x67: {  	_ =	shalt  }
0x68: {  	_ =	shalt  }
0x69: {  	_ =	shalt  }
0x6a: {  	_ =	shalt  }
0x6b: {  	_ =	shalt  }
0x6c: {  	_ =	shalt  }
0x6d: {  	_ =	shalt  }
0x6e: {  	_ =	shalt  }
0x6f: {  	_ =	shalt  }
0x70: {  	_ =	shalt  }
0x71: {  	_ =	shalt  }
0x72: {  	_ =	shalt  }
0x73: {  	_ =	shalt  }
0x74: {  	_ =	shalt  }
0x75: {  	_ =	shalt  }
0x76: {  	_ =	shalt  }
0x77: {  	_ =	shalt  }
0x78: {  	_ =	shalt  }
0x79: {  	_ =	shalt  }
0x7a: {  	_ =	shalt  }
0x7b: {  	_ =	shalt  }
0x7c: {  	_ =	shalt  }
0x7d: {  	_ =	shalt  }
0x7e: {  	_ =	shalt  }
0x7f: {  	_ =	shalt  }
0x80: {  	_ =	shalt  }
0x81: {  	_ =	shalt  }
0x82: {  	_ =	shalt  }
0x83: {  	_ =	shalt  }
0x84: {  	_ =	shalt  }
0x85: {  	_ =	shalt  }
0x86: {  	_ =	shalt  }
0x87: {  	_ =	shalt  }
.Lfunc_end0:
.L_simem_size_0:
called_computation_lowered:
.L_overlay_start_0:
0x88: {  	s2 =	sld [smem:$0x3FD9]  }
0x89: {  	s3 =	sld [smem:$0x3FFE];
	_ =	sdelay $0x1  }
0x8a: {  	s1 =	srdreg.scid  }
0x8b: {  	s0 =	sand.u32 $0x1, s1  }
0x8c: {  	s17 =	sshll.u32 s0, $0xA;
	s2 =	sadd.s32 s3, s2  }
0x8d: {  	s2 =	sadd.s32 s2, s17  }
0x8e: {  	[smem:$0x3FC6] =	sst s2  }
0x8f: {  	_ = 	snop  }
0x90: {  	s2 =	sld [smem:$0x3FC9]  }
0x91: {  	s18 =	sld [smem:$0x3FD0];
	(tm) =	ssettm $0x1  }
0x92: {  	s4 =	sld [smem:$0x3FFB];
	_ =	sdelay $0x3  }
0x93: {  	_ =	strace s4  }
0x94: {  	s4 =	sld [smem:$0x3FFC];
	_ =	sdelay $0x3  }
0x95: {  	_ =	strace s4  }
0x96: {  	s4 =	sld [smem:$0x3FFD];
	_ =	sdelay $0x3  }
0x97: {  	_ =	strace s4  }
0x98: {  	_ =	strace $0x8FFFFFFF  }
0x99: {  	s19 =	sld [smem:$0x3FDB];
	_ =	sdelay $0x1  }
0x9a: {  	s5 =	simm.s32 $_scs_section_size  }
0x9b: {  	s6 =	simm.s32 $_size__tile_overlayer_lowered;
	s7 =	simm.s32 $_tile_overlayer_lowered  }
0x9c: {  	s22 =	simm.s32 $0x1BFF;
	s21 =	sshll.u32 s7, $0x1;
	s4 =	sadd.s32 s5, s19  }
0x9d: {  	s8 =	simm.s32 $0x0;
	s20 =	sshll.u32 s6, $0x1;
	s6 =	sadd.s32 s21, s4  }
0x9e: {  	[timem:s8], [sflag:s22] =	dma.local [hbm:s6], s20  }
0x9f: {  	_ =	swait.ge [sflag:s22], s20  }
0xa0: {  	s5 =	ssub.s32 $0x0, s20;
	[sflag:s22] =	ssyncset.done $0x0  }
0xa1: {  	[sflag:s22] =	ssyncadd.s32 s5;
	_ =	sdelay $0x1  }
0xa2: {  	s23 =	simm.s32 $0x1B8B  }
0xa3: {  	_ =	swait.ge [sflag:s23], $0x1  }
0xa4: {  	[sflag:s23] =	ssyncset.done $0x0  }
0xa5: {  	s25 =	simm.s32 $0x1B8E;
	s24 =	sld [smem:$0x3FFE];
	[sflag:s23] =	ssyncadd.s32 $0xFFFFFFFF  }
0xa6: {  	s26 =	simm.s32 $execute0_lowered;
	[smem:$0x3FD2] =	sst s25  }
0xa7: {  	s6 =	sshll.u32 s26, $0x1;
	_ =	strace $0x80000046;
	[dreg:$0x1] =	wrdreg $0xFFFFFFFF  }
0xa8: {  	s28 =	simm.s32 $_size_execute0_lowered;
	s4 =	sadd.s32 s4, s6;
	[dreg:$0x0] =	wrdreg $0x0  }
0xa9: {  	s6 =	sshll.u32 s28, $0x1;
	[dreg:$0x2] =	wrdreg s4  }
0xaa: {  	[dreg:$0x3] =	wrdreg s6  }
0xab: {  	[dreg:$0x4] =	wrdreg $0xC0  }
0xac: {  	_ =	task [dreg:s8], $0x5FFFF  }
0xad: {  	[dreg:$0x1] =	wrdreg $0xFFFFFFFF  }
0xae: {  	[dreg:$0x0] =	wrdreg $0x60  }
0xaf: {  	[dreg:$0x2] =	wrdreg s2  }
0xb0: {  	[dreg:$0x3] =	wrdreg s24  }
0xb1: {  	[dreg:$0x4] =	wrdreg s18  }
0xb2: {  	[dreg:$0x5] =	wrdreg $0x9  }
0xb3: {  	_ =	task.clear_ibuf [dreg:s8], $0x6FFFF;
	_ =	strace $0x90000046  }
0xb4: {  	s29 =	simm.s32 $0x9;
	_ =	strace $0x80000048  }
0xb5: {  	_ =	swait.ge [sflag:s29], $0x1  }
0xb6: {  	[sflag:s29] =	ssyncadd.s32 $0xFFFFFFFF  }
0xb7: {  	_ =	strace $0x90000048  }
0xb8: {  	_ =	sfence  }
0xb9: {  	s30 =	sld [smem:$0x0];
	_ =	sdelay $0x2  }
0xba: {  	s31 =	sshll.u32 s1, $0xD;
	s1 =	sshrl.u32 s1, $0x2  }
0xbb: {  	s3 =	sand.u32 $0x4000, s31;
	s1 =	sadd.s32 s1, s30  }
0xbc: {  	s0 =	sor.u32 s3, s0;
	s1 =	sshll.u32 s1, $0x11  }
0xbd: {  	s0 =	sor.u32 s1, s0  }
0xbe: {  	s0 =	sadd.s32 $0x8F2B, s0  }
0xbf: {  	[sflag:s0] =	ssyncadd.remote.s32 $0x1  }
0xc0: {  	_ =	sfence.sel $0xFFFF  }
0xc1: {  	[dreg:$0x0] =	wrdreg $0xFFFFFFFF;
	(pc) =	sbr.abs _section_cstart, $3  }
0xc2: {  	[dreg:$0x1] =	wrdreg $0xFFFFFFFF  }
0xc3: {  	_ =	task.clear_ibuf [dreg:s8], $0x2FFFF;
	_ =	strace $0x9FFFFFFF  }
0xc4: {  	(tm) =	ssettm $0x7FFFFFFF  }
0xc5: {  	_ =	shalt  }
tec
execute0_lowered:
.L_overlay_start_1:
0x0: {  	(tag) =	ssettag $0x1  }
0x1: {  	s3 =	rddreg [dreg:$0x0]  }
0x2: {  	s4 =	rddreg [dreg:$0x1]  }
0x3: {  	s7 =	rddreg [dreg:$0x2]  }
0x4: {  	s0 =	rddreg [dreg:$0x3]  }
0x5: {  	s2 =	simm.s32 $0x0;
	s1 =	stileid.u32;
	s5 =	srdreg.scid  }
0x6: {  	s13 =	simm.s32 $0x2000;
	s14 =	simm.s32 $0x3000;
	s15 =	simm.s32 $0x3400  }
0x7: {  	s16 =	simm.s32 $0x9400;
	s17 =	simm.s32 $0x1;
	s18 =	simm.s32 $0x2  }
0x8: {  	s19 =	simm.s32 $0xFC00;
	s20 =	simm.s32 $0x3;
	s21 =	simm.s32 $0x4  }
0x9: {  	s22 =	simm.s32 $0x13C00;
	s23 =	simm.s32 $0x5;
	s5 =	sand.u32 $0x1, s5  }
0xa: {  	[smem:$0x7FF] =	sst s2;
	s11 =	sshll.u32 s1, $0x8;
	s12 =	sshll.u32 s5, $0x7  }
0xb: {  	s6 =	sshll.u32 s1, $0x6;
	s30 =	sshll.u32 s1, $0xD;
	s11 =	sor.u32 s11, s12  }
0xc: {  	_ =	strace $0x80000047;
	s6 =	sand.u32 $0x380, s6;
	s11 =	sand.u32 $0x180, s11  }
0xd: {  	s8 =	ssub.s32 $0x2, s5;
	s31 =	sshll.u32 s5, $0xC;
	s24 =	sshrl.u32 s11, $0x2  }
0xe: {  	s9 =	sadd.s32 s6, s4;
	s29 =	sshrl.u32 s8, $0x1;
	s3 =	sadd.s32 s3, s6;
	v6 =	vmov s24  }
0xf: {  	v0 =	vlaneseq.u32;
	s12 =	simm.s32 $0x400;
	s10 =	ssub.s32 s8, s29;
	s8 =	sor.u32 s31, s30  }
0x10: {  	v0 =	vmul.u32 $0x400, v0;
	s4 =	sadd.s32 $0x3000, s3;
	s5 =	sadd.s32 $0x400, s9;
	s7 =	sadd.s32 s7, s8  }
0x11: {  	v1 =	vimm.f32 $0.0e+00;
	v2 =	vimm.s32 $0x0;
	s6 =	sadd.s32 $0x6400, s9;
	s9 =	smax.u32 s10, $0x1;
	s8 =	sadd.s32 $0x800, s7  }
0x12: {  	v3 =	vor.u32 $0x80, v0;
	v4 =	vor.u32 $0x100, v0;
	v5 =	vor.u32 $0x180, v0;
	s10 =	sor.u32 $0x3800, s24;
	s11 =	sor.u32 $0x3810, s24;
	s24 =	simm.s32 $0x0  }
.LBB2_1:
0x13: {  	[tilespmem:s2], [sflag:$0x1] =	stream.strided.gather [hbm4b:s3+s12], $0x3000, s13, s12, $0x38;
	[tilespmem:$0x17C00] =	vst v63  }
0x14: {  	_ = 	snop  }
0x15: {  	[tilespmem:s14], [sflag:$0x1] =	stream.linear.gather [hbm4b:s4+s2], $0x200, $0x38;
	[tilespmem:$0x17C00] =	vst v63  }
0x16: {  	_ = 	snop  }
0x17: {  	[tilespmem:s15], [sflag:$0x2] =	stream.strided.gather [hbm4b:s5+s12], $0x6000, s13, s12, $0x38;
	[tilespmem:$0x17C00] =	vst v63  }
0x18: {  	s25 =	simm.s32 $0x0;
	s26 =	simm.s32 $0x200  }
0x19: {  	[tilespmem:s16], [sflag:$0x3] =	stream.strided.gather [hbm4b:s6+s12], $0x6800, s13, s12, $0x38;
	[tilespmem:$0x17C00] =	vst v63  }
.LBB2_2:
0x1a: {  	p0 =	sne.s32 s26, $0x1FE00;
	[tilespmem:s25+$0xFC70] =	vst v1  }
0x1b: {  	[tilespmem:s25+$0xFC00] =	vst v1  }
0x1c: {  	[tilespmem:s25+$0xFC10] =	vst v1  }
.Ltmp0:
0x1d: {  	[tilespmem:s25+$0xFC20] =	vst v1;
	(pc) =	sbr.rel @p0 .LBB2_2-.Ltmp0, $4  }
0x1e: {  	[tilespmem:s25+$0xFC30] =	vst v1  }
0x1f: {  	[tilespmem:s25+$0xFC40] =	vst v1  }
0x20: {  	[tilespmem:s25+$0xFC50] =	vst v1  }
0x21: {  	[tilespmem:s25+$0xFC60] =	vst v1;
	s25 =	sshra.s32 s26, $0x2;
	s26 =	sadd.s32 $0x200, s26  }
0x22: {  	[tilespmem:s25+$0xFC70] =	vst v1  }
0x23: {  	[tilespmem:s25+$0xFC00] =	vst v1  }
0x24: {  	[tilespmem:s25+$0xFC10] =	vst v1  }
0x25: {  	[tilespmem:s25+$0xFC20] =	vst v1  }
0x26: {  	[tilespmem:s25+$0xFC30] =	vst v1  }
0x27: {  	[tilespmem:s25+$0xFC40] =	vst v1  }
0x28: {  	[tilespmem:s25+$0xFC50] =	vst v1  }
0x29: {  	[tilespmem:s25+$0xFC60] =	vst v1  }
0x2a: {  	_ =	swait.ge [sflag:s17], $0x3200  }
0x2b: {  	[sflag:s17] =	ssyncset.done $0x0  }
0x2c: {  	[sflag:s17] =	ssyncadd.s32 $0xFFFFCE00  }
0x2d: {  	_ =	swait.ge [sflag:s18], $0x6000  }
0x2e: {  	[sflag:s18] =	ssyncset.done $0x0  }
0x2f: {  	s31 =	simm.s32 $0x0;
	[sflag:s18] =	ssyncadd.s32 $0xFFFFA000  }
0x30: {  	v7 =	vld.idx.msk [tilespmem:v6+s31+$0x0 ss:$0x1], $0xffff  }
0x31: {  	v8 =	vld.idx.msk [tilespmem:v6+s31+$0x80 ss:$0x1], $0xffff  }
0x32: {  	v12 =	vld.idx.msk [tilespmem:v6+s31+$0x180 ss:$0x1], $0xffff  }
0x33: {  	v10 =	vld.idx.msk [tilespmem:v6+s31+$0x100 ss:$0x1], $0xffff;
	_ =	sdelay $0x2  }
0x34: {  	v9 =	vadd.f32 $1.500000000e+01, v7  }
0x35: {  	v11 =	vadd.f32 $1.500000000e+01, v8;
	v13 =	vadd.f32 $1.500000000e+01, v12  }
0x36: {  	v14 =	vadd.f32 $1.500000000e+01, v10;
	v9 =	vmul.f32 $8.533333770e+00, v9  }
0x37: {  	v11 =	vmul.f32 $8.533333770e+00, v11;
	v13 =	vmul.f32 $8.533333770e+00, v13  }
0x38: {  	v14 =	vmul.f32 $8.533333770e+00, v14;
	v9 =	vtrunc.f32 v9  }
0x39: {  	v11 =	vtrunc.f32 v11;
	v13 =	vtrunc.f32 v13  }
0x3a: {  	v9 =	vcvt.f32.s32 v9;
	v11 =	vcvt.f32.s32 v11  }
0x3b: {  	v14 =	vtrunc.f32 v14;
	v21 =	vcvt.f32.s32 v13  }
0x3c: {  	v15 =	vcvt.s32.f32 v9;
	v13 =	vcvt.s32.f32 v11  }
0x3d: {  	v14 =	vcvt.f32.s32 v14;
	v16 =	vcvt.s32.f32 v21  }
0x3e: {  	v15 =	vmul.f32 $1.171875000e-01, v15;
	v13 =	vmul.f32 $1.171875000e-01, v13  }
0x3f: {  	v17 =	vcvt.s32.f32 v14;
	v16 =	vmul.f32 $1.171875000e-01, v16  }
0x40: {  	v15 =	vadd.f32 $-1.500000000e+01, v15;
	v13 =	vadd.f32 $-1.500000000e+01, v13  }
0x41: {  	v17 =	vmul.f32 $1.171875000e-01, v17;
	v16 =	vadd.f32 $-1.500000000e+01, v16  }
0x42: {  	vm0 =	vlt.f32 v7, v15;
	v15 =	vadd.f32 $1.171875000e-01, v15;
	vm9 =	vlt.f32 v8, v13  }
0x43: {  	v13 =	vadd.f32 $1.171875000e-01, v13;
	v22 =	vadd.f32 $1.171875000e-01, v16;
	vm15 =	vlt.f32 v12, v16  }
0x44: {  	v18 =	vsel vm0, $0xFFFFFFFF, v2;
	vm1 =	vge.f32 v7, v15;
	v7 =	vsel vm9, $0xFFFFFFFF, v2  }
0x45: {  	v33 =	vld [tilespmem:s10+$0xFFFFFC00];
	vm10 =	vge.f32 v8, v13;
	v8 =	vadd.s32 v9, v18;
	v19 =	vsel vm1, $0x1, v2  }
0x46: {  	v34 =	vld [tilespmem:s10+$0xFFFFFC80];
	v7 =	vadd.s32 v11, v7;
	v9 =	vsel vm10, $0x1, v2;
	v11 =	vadd.f32 $-1.500000000e+01, v17  }
0x47: {  	v16 =	vld [tilespmem:s10+$0x180];
	v38 =	vsel vm15, $0xFFFFFFFF, v2;
	v17 =	vadd.s32 v19, v8;
	v18 =	vadd.s32 v9, v7  }
0x48: {  	v15 =	vld [tilespmem:s10+$0xFFFFFD80];
	vm11 =	vgt.s32 v17, $0x0;
	vm12 =	vlt.f32 v10, v11;
	v11 =	vadd.f32 $1.171875000e-01, v11  }
0x49: {  	v13 =	vld [tilespmem:s10+$0xFFFFFE00];
	vm13 =	vgt.s32 v18, $0x0;
	v17 =	vnsel vm11, $0x0, v17;
	v19 =	vsel vm12, $0xFFFFFFFF, v2  }
0x4a: {  	v7 =	vld [tilespmem:s10+$0xFFFFFE80];
	v17 =	vmin.u32 v17, $0xFF;
	vm14 =	vge.f32 v10, v11;
	v19 =	vadd.s32 v14, v19  }
0x4b: {  	v8 =	vld [tilespmem:s10+$0xFFFFFF00];
	v14 =	vshll.u32 v17, $0x2;
	v29 =	vand.u32 $0x7F, v17;
	v20 =	vsel vm14, $0x1, v2  }
0x4c: {  	v9 =	vld [tilespmem:s10+$0xFFFFFF80];
	v23 =	vand.u32 $0x200, v14;
	v24 =	vor.u32 v5, v14;
	v19 =	vadd.s32 v20, v19  }
0x4d: {  	v10 =	vld [tilespmem:s10+$0x0];
	v32 =	vand.u32 $0x3F80, v24;
	vm2 =	vgt.s32 v19, $0x0;
	v31 =	vor.u32 v29, v23  }
0x4e: {  	v11 =	vld [tilespmem:s10+$0x80];
	v20 =	vor.u32 v17, v23;
	v24 =	vnsel vm13, $0x0, v18;
	v19 =	vnsel vm2, $0x0, v19  }
0x4f: {  	v14 =	vld [tilespmem:s10+$0x100];
	v23 =	vor.u32 v3, v20;
	v35 =	vmin.u32 v24, $0xFF;
	v27 =	vor.u32 v0, v31  }
0x50: {  	v17 =	vld [tilespmem:s10+$0x200];
	v31 =	vor.u32 v4, v31;
	v32 =	vor.u32 v29, v32;
	v39 =	vmin.u32 v19, $0xFF  }
0x51: {  	v18 =	vld [tilespmem:s10+$0x280];
	v36 =	vshll.u32 v35, $0x2;
	v25 =	vand.u32 $0x7F, v35;
	v28 =	vshll.u32 v39, $0x2  }
0x52: {  	v20 =	vld [tilespmem:s10+$0x380];
	v37 =	vand.u32 $0x200, v36;
	v26 =	vand.u32 $0x7F, v39;
	v36 =	vor.u32 v5, v36  }
0x53: {  	v19 =	vld [tilespmem:s10+$0x300];
	v40 =	vand.u32 $0x200, v28;
	v30 =	vor.u32 v25, v37;
	v37 =	vor.u32 v35, v37  }
0x54: {  	s25 =	simm.s32 $0x800;
	s26 =	smov.u32 s10;
	v35 =	vld [tilespmem:s10+$0xFFFFFD00];
	v36 =	vand.u32 $0x3F80, v36;
	v24 =	vor.u32 v26, v40;
	v29 =	vor.u32 v39, v40  }
.LBB2_4:
0x55: {  	p0 =	sne.s32 s25, $0x5800  }
0x56: {  	v21 =	vadd.s32 v21, v38;
	vm0 =	vge.f32 v12, v22;
	v12 =	vor.u32 v5, v28;
	s26 =	sadd.s32 $0x800, s26;
	s28 =	smov.u32 s25;
	s25 =	sadd.s32 $0x800, s25  }
0x57: {  	v22 =	vsel vm0, $0x1, v2;
	[tilespmem:v27+s19+$0x0] =	vst.idx.add.f32.msk $0xffff, v33;
	v27 =	vor.u32 v0, v30;
	v12 =	vand.u32 $0x3F80, v12  }
0x58: {  	v21 =	vadd.s32 v22, v21;
	v22 =	vor.u32 v3, v37;
	v12 =	vor.u32 v26, v12  }
0x59: {  	vm0 =	vgt.s32 v21, $0x0;
	[tilespmem:v23+s19+$0x0] =	vst.idx.add.f32.msk $0xffff, v34;
	v23 =	vor.u32 v4, v30  }
0x5a: {  	v25 =	vor.u32 v25, v36;
	v21 =	vnsel vm0, $0x0, v21;
	[tilespmem:v31+s19+$0x0] =	vst.idx.add.f32.msk $0xffff, v35  }
0x5b: {  	v21 =	vmin.u32 v21, $0xFF;
	[tilespmem:v32+s19+$0x0] =	vst.idx.add.f32.msk $0xffff, v15;
	v15 =	vor.u32 v0, v24  }
0x5c: {  	s28 =	sshra.s32 s28, $0x2;
	[tilespmem:v27+s19+$0x0] =	vst.idx.add.f32.msk $0xffff, v13;
	v13 =	vor.u32 v3, v29;
	v26 =	vshll.u32 v21, $0x2;
	v27 =	vand.u32 $0x7F, v21  }
0x5d: {  	[tilespmem:v22+s19+$0x0] =	vst.idx.add.f32.msk $0xffff, v7;
	v7 =	vor.u32 v4, v24;
	v22 =	vand.u32 $0x200, v26;
	v24 =	vor.u32 v5, v26  }
0x5e: {  	[tilespmem:v23+s19+$0x0] =	vst.idx.add.f32.msk $0xffff, v8;
	v8 =	vor.u32 v27, v22;
	v21 =	vor.u32 v21, v22  }
0x5f: {  	[tilespmem:v25+s19+$0x0] =	vst.idx.add.f32.msk $0xffff, v9;
	v9 =	vor.u32 v0, v8;
	v21 =	vor.u32 v3, v21  }
0x60: {  	v8 =	vor.u32 v4, v8;
	[tilespmem:v15+s19+$0x0] =	vst.idx.add.f32.msk $0xffff, v10;
	v10 =	vand.u32 $0x3F80, v24  }
0x61: {  	[tilespmem:v13+s19+$0x0] =	vst.idx.add.f32.msk $0xffff, v11;
	v10 =	vor.u32 v27, v10  }
0x62: {  	[tilespmem:v7+s19+$0x0] =	vst.idx.add.f32.msk $0xffff, v14  }
0x63: {  	[tilespmem:v12+s19+$0x0] =	vst.idx.add.f32.msk $0xffff, v16  }
0x64: {  	[tilespmem:v9+s19+$0x0] =	vst.idx.add.f32.msk $0xffff, v17  }
0x65: {  	[tilespmem:v21+s19+$0x0] =	vst.idx.add.f32.msk $0xffff, v18  }
0x66: {  	[tilespmem:v8+s19+$0x0] =	vst.idx.add.f32.msk $0xffff, v19  }
0x67: {  	[tilespmem:v10+s19+$0x0] =	vst.idx.add.f32.msk $0xffff, v20  }
0x68: {  	v22 =	vld.idx.msk [tilespmem:v6+s28+$0x0 ss:$0x1], $0xffff  }
0x69: {  	v23 =	vld.idx.msk [tilespmem:v6+s28+$0x80 ss:$0x1], $0xffff  }
0x6a: {  	v12 =	vld.idx.msk [tilespmem:v6+s28+$0x180 ss:$0x1], $0xffff  }
0x6b: {  	v15 =	vld [tilespmem:s26+$0xFFFFFD80]  }
0x6c: {  	v13 =	vld [tilespmem:s26+$0xFFFFFE00]  }
0x6d: {  	v7 =	vld [tilespmem:s26+$0xFFFFFE80]  }
0x6e: {  	v10 =	vadd.f32 $1.500000000e+01, v22;
	v24 =	vld.idx.msk [tilespmem:v6+s28+$0x100 ss:$0x1], $0xffff  }
0x6f: {  	v11 =	vadd.f32 $1.500000000e+01, v23;
	v8 =	vld [tilespmem:s26+$0xFFFFFF00]  }
0x70: {  	v14 =	vmul.f32 $8.533333770e+00, v10;
	v16 =	vadd.f32 $1.500000000e+01, v12;
	v9 =	vld [tilespmem:s26+$0xFFFFFF80]  }
0x71: {  	v17 =	vmul.f32 $8.533333770e+00, v11;
	v10 =	vld [tilespmem:s26+$0x0]  }
0x72: {  	v18 =	vtrunc.f32 v14;
	v19 =	vmul.f32 $8.533333770e+00, v16;
	v11 =	vld [tilespmem:s26+$0x80]  }
0x73: {  	v25 =	vcvt.f32.s32 v18;
	v17 =	vtrunc.f32 v17;
	v14 =	vld [tilespmem:s26+$0x100]  }
0x74: {  	v26 =	vcvt.f32.s32 v17;
	v20 =	vadd.f32 $1.500000000e+01, v24;
	v18 =	vtrunc.f32 v19;
	v16 =	vld [tilespmem:s26+$0x180]  }
0x75: {  	v27 =	vcvt.s32.f32 v25;
	v21 =	vcvt.f32.s32 v18;
	v17 =	vld [tilespmem:s26+$0x200]  }
0x76: {  	v28 =	vcvt.s32.f32 v26;
	v29 =	vmul.f32 $8.533333770e+00, v20;
	v18 =	vld [tilespmem:s26+$0x280]  }
0x77: {  	v27 =	vmul.f32 $1.171875000e-01, v27;
	v30 =	vcvt.s32.f32 v21;
	v19 =	vld [tilespmem:s26+$0x300]  }
0x78: {  	v28 =	vmul.f32 $1.171875000e-01, v28;
	v29 =	vtrunc.f32 v29;
	v20 =	vld [tilespmem:s26+$0x380]  }
0x79: {  	v27 =	vadd.f32 $-1.500000000e+01, v27;
	v29 =	vcvt.f32.s32 v29;
	v30 =	vmul.f32 $1.171875000e-01, v30  }
0x7a: {  	v28 =	vadd.f32 $-1.500000000e+01, v28  }
0x7b: {  	vm0 =	vlt.f32 v22, v27;
	v27 =	vadd.f32 $1.171875000e-01, v27;
	v31 =	vcvt.s32.f32 v29  }
0x7c: {  	v32 =	vsel vm0, $0xFFFFFFFF, v2;
	vm0 =	vlt.f32 v23, v28;
	v28 =	vadd.f32 $1.171875000e-01, v28  }
0x7d: {  	vm1 =	vge.f32 v22, v27;
	v22 =	vsel vm0, $0xFFFFFFFF, v2;
	v27 =	vmul.f32 $1.171875000e-01, v31  }
0x7e: {  	v31 =	vsel vm1, $0x1, v2;
	v22 =	vadd.s32 v26, v22;
	vm0 =	vge.f32 v23, v28  }
0x7f: {  	v23 =	vadd.s32 v25, v32;
	v25 =	vsel vm0, $0x1, v2;
	v26 =	vadd.f32 $-1.500000000e+01, v27  }
0x80: {  	v23 =	vadd.s32 v31, v23;
	v27 =	vadd.f32 $-1.500000000e+01, v30;
	v25 =	vadd.s32 v25, v22  }
0x81: {  	vm0 =	vgt.s32 v23, $0x0;
	vm1 =	vlt.f32 v24, v26;
	v26 =	vadd.f32 $1.171875000e-01, v26  }
0x82: {  	v23 =	vnsel vm0, $0x0, v23;
	vm0 =	vgt.s32 v25, $0x0;
	v22 =	vadd.f32 $1.171875000e-01, v27  }
0x83: {  	v23 =	vmin.u32 v23, $0xFF;
	v28 =	vsel vm1, $0xFFFFFFFF, v2;
	vm1 =	vge.f32 v24, v26  }
0x84: {  	v24 =	vadd.s32 v29, v28;
	v26 =	vshll.u32 v23, $0x2;
	v29 =	vand.u32 $0x7F, v23  }
0x85: {  	v28 =	vsel vm1, $0x1, v2;
	v30 =	vand.u32 $0x200, v26;
	v26 =	vor.u32 v5, v26  }
0x86: {  	vm1 =	vlt.f32 v12, v27;
	v24 =	vadd.s32 v28, v24;
	v32 =	vand.u32 $0x3F80, v26  }
0x87: {  	v31 =	vor.u32 v29, v30;
	v23 =	vor.u32 v23, v30;
	vm2 =	vgt.s32 v24, $0x0  }
0x88: {  	v25 =	vnsel vm0, $0x0, v25;
	v23 =	vor.u32 v3, v23;
	v24 =	vnsel vm2, $0x0, v24  }
0x89: {  	v35 =	vmin.u32 v25, $0xFF;
	v27 =	vor.u32 v0, v31;
	v39 =	vmin.u32 v24, $0xFF  }
.Ltmp1:
0x8a: {  	v36 =	vshll.u32 v35, $0x2;
	v25 =	vand.u32 $0x7F, v35;
	v28 =	vshll.u32 v39, $0x2;
	(pc) =	sbr.rel @p0 .LBB2_4-.Ltmp1, $4  }
0x8b: {  	v37 =	vand.u32 $0x200, v36;
	v26 =	vand.u32 $0x7F, v39;
	v40 =	vand.u32 $0x200, v28;
	v33 =	vld [tilespmem:s26+$0xFFFFFC00]  }
0x8c: {  	v38 =	vsel vm1, $0xFFFFFFFF, v2;
	v30 =	vor.u32 v25, v37;
	v24 =	vor.u32 v26, v40  }
0x8d: {  	v36 =	vor.u32 v5, v36;
	v31 =	vor.u32 v4, v31;
	v37 =	vor.u32 v35, v37;
	v34 =	vld [tilespmem:s26+$0xFFFFFC80]  }
0x8e: {  	v32 =	vor.u32 v29, v32;
	v36 =	vand.u32 $0x3F80, v36;
	v29 =	vor.u32 v39, v40;
	v35 =	vld [tilespmem:s26+$0xFFFFFD00]  }
0x8f: {  	_ =	sdelay $0x1  }
0x90: {  	vm0 =	vge.f32 v12, v22  }
0x91: {  	v49 =	vadd.s32 v21, v38;
	v51 =	vor.u32 v0, v30;
	v50 =	vsel vm0, $0x1, v2  }
0x92: {  	v52 =	vor.u32 v3, v37;
	[tilespmem:v27+s19+$0x0] =	vst.idx.add.f32.msk $0xffff, v33;
	v12 =	vadd.s32 v50, v49  }
0x93: {  	v53 =	vor.u32 v4, v30;
	vm15 =	vgt.s32 v12, $0x0;
	[tilespmem:v23+s19+$0x0] =	vst.idx.add.f32.msk $0xffff, v34  }
0x94: {  	v25 =	vor.u32 v25, v36;
	v12 =	vnsel vm15, $0x0, v12;
	[tilespmem:v31+s19+$0x0] =	vst.idx.add.f32.msk $0xffff, v35  }
0x95: {  	v54 =	vor.u32 v5, v28;
	v55 =	vor.u32 v0, v24;
	v12 =	vmin.u32 v12, $0xFF;
	[tilespmem:v32+s19+$0x0] =	vst.idx.add.f32.msk $0xffff, v15  }
0x96: {  	v56 =	vor.u32 v3, v29;
	v27 =	vand.u32 $0x3F80, v54;
	[tilespmem:v51+s19+$0x0] =	vst.idx.add.f32.msk $0xffff, v13;
	v57 =	vshll.u32 v12, $0x2  }
0x97: {  	v58 =	vand.u32 $0x7F, v12;
	[tilespmem:v52+s19+$0x0] =	vst.idx.add.f32.msk $0xffff, v7;
	v7 =	vor.u32 v4, v24;
	v59 =	vand.u32 $0x200, v57  }
0x98: {  	v60 =	vor.u32 v26, v27;
	[tilespmem:v53+s19+$0x0] =	vst.idx.add.f32.msk $0xffff, v8;
	v8 =	vor.u32 v58, v59  }
0x99: {  	v12 =	vor.u32 v12, v59;
	[tilespmem:v25+s19+$0x0] =	vst.idx.add.f32.msk $0xffff, v9;
	v61 =	vor.u32 v0, v8  }
0x9a: {  	v62 =	vor.u32 v5, v57;
	v12 =	vor.u32 v3, v12;
	[tilespmem:v55+s19+$0x0] =	vst.idx.add.f32.msk $0xffff, v10  }
0x9b: {  	v63 =	vand.u32 $0x3F80, v62;
	v8 =	vor.u32 v4, v8;
	[tilespmem:v56+s19+$0x0] =	vst.idx.add.f32.msk $0xffff, v11  }
0x9c: {  	v10 =	vor.u32 v58, v63;
	[tilespmem:v7+s19+$0x0] =	vst.idx.add.f32.msk $0xffff, v14  }
0x9d: {  	[tilespmem:v60+s19+$0x0] =	vst.idx.add.f32.msk $0xffff, v16  }
0x9e: {  	[tilespmem:v61+s19+$0x0] =	vst.idx.add.f32.msk $0xffff, v17  }
0x9f: {  	[tilespmem:v12+s19+$0x0] =	vst.idx.add.f32.msk $0xffff, v18  }
0xa0: {  	[tilespmem:v8+s19+$0x0] =	vst.idx.add.f32.msk $0xffff, v19  }
0xa1: {  	[tilespmem:v10+s19+$0x0] =	vst.idx.add.f32.msk $0xffff, v20  }
0xa2: {  	_ =	swait.ge [sflag:s20], $0x6800  }
0xa3: {  	[sflag:s20] =	ssyncset.done $0x0  }
0xa4: {  	s28 =	simm.s32 $0x3400;
	s26 =	simm.s32 $0x1980;
	[sflag:s20] =	ssyncadd.s32 $0xFFFF9800  }
0xa5: {  	s29 =	simm.s32 $0xC;
	s30 =	simm.s32 $0x1980;
	s25 =	simm.s32 $0x3400;
	v7 =	vld.idx.msk [tilespmem:v6+s26+$0xFFFFFF00 ss:$0x1], $0xffff  }
.LBB2_6:
0xa6: {  	p0 =	sne.s32 s29, $0x1;
	v8 =	vld.idx.msk [tilespmem:v6+s26+$0xFFFFFE80 ss:$0x1], $0xffff;
	s28 =	sadd.s32 $0x800, s28;
	s30 =	sadd.s32 $0x200, s30  }
0xa7: {  	s29 =	sadd.s32 $0xFFFFFFFF, s29;
	_ =	sdelay $0x1  }
0xa8: {  	v9 =	vld.idx.msk [tilespmem:v6+s26+$0x0 ss:$0x1], $0xffff;
	_ =	sdelay $0x1  }
0xa9: {  	v11 =	vadd.f32 $1.500000000e+01, v7;
	v10 =	vld.idx.msk [tilespmem:v6+s26+$0xFFFFFF80 ss:$0x1], $0xffff;
	s26 =	smov.u32 s30  }
0xaa: {  	v12 =	vadd.f32 $1.500000000e+01, v8  }
0xab: {  	v11 =	vmul.f32 $8.533333770e+00, v11  }
0xac: {  	v12 =	vmul.f32 $8.533333770e+00, v12  }
0xad: {  	v11 =	vtrunc.f32 v11;
	v13 =	vadd.f32 $1.500000000e+01, v9  }
0xae: {  	v12 =	vtrunc.f32 v12;
	v11 =	vcvt.f32.s32 v11  }
0xaf: {  	v12 =	vcvt.f32.s32 v12;
	v14 =	vadd.f32 $1.500000000e+01, v10;
	v13 =	vmul.f32 $8.533333770e+00, v13  }
0xb0: {  	v15 =	vcvt.s32.f32 v11  }
0xb1: {  	v16 =	vcvt.s32.f32 v12;
	v14 =	vmul.f32 $8.533333770e+00, v14  }
0xb2: {  	v13 =	vtrunc.f32 v13;
	v15 =	vmul.f32 $1.171875000e-01, v15  }
0xb3: {  	v16 =	vmul.f32 $1.171875000e-01, v16;
	v14 =	vtrunc.f32 v14  }
0xb4: {  	v13 =	vcvt.f32.s32 v13;
	v15 =	vadd.f32 $-1.500000000e+01, v15;
	v14 =	vcvt.f32.s32 v14  }
0xb5: {  	v16 =	vadd.f32 $-1.500000000e+01, v16  }
0xb6: {  	vm0 =	vlt.f32 v7, v15;
	v15 =	vadd.f32 $1.171875000e-01, v15;
	v17 =	vcvt.s32.f32 v14  }
0xb7: {  	vm1 =	vlt.f32 v8, v16;
	v16 =	vadd.f32 $1.171875000e-01, v16;
	v18 =	vsel vm0, $0xFFFFFFFF, v2  }
0xb8: {  	v19 =	vsel vm1, $0xFFFFFFFF, v2;
	vm0 =	vge.f32 v7, v15;
	v7 =	vmul.f32 $1.171875000e-01, v17  }
0xb9: {  	v12 =	vadd.s32 v12, v19;
	vm1 =	vge.f32 v8, v16;
	v8 =	vsel vm0, $0x1, v2  }
0xba: {  	v11 =	vadd.s32 v11, v18;
	v15 =	vsel vm1, $0x1, v2;
	v16 =	vadd.f32 $-1.500000000e+01, v7  }
0xbb: {  	v11 =	vadd.s32 v8, v11;
	v12 =	vadd.s32 v15, v12;
	v15 =	vcvt.s32.f32 v13;
	v7 =	vld.idx.msk [tilespmem:v6+s25+$0x6780 ss:$0x1], $0xffff  }
0xbc: {  	vm0 =	vgt.s32 v12, $0x0;
	vm1 =	vlt.f32 v10, v16;
	v16 =	vadd.f32 $1.171875000e-01, v16;
	v8 =	vld.idx.msk [tilespmem:v6+s25+$0x6700 ss:$0x1], $0xffff  }
0xbd: {  	v12 =	vnsel vm0, $0x0, v12;
	v18 =	vsel vm1, $0xFFFFFFFF, v2;
	v15 =	vmul.f32 $1.171875000e-01, v15;
	v17 =	vld.idx.msk [tilespmem:v6+s25+$0x6680 ss:$0x1], $0xffff  }
0xbe: {  	v12 =	vmin.u32 v12, $0xFF;
	v14 =	vadd.s32 v14, v18;
	vm0 =	vge.f32 v10, v16;
	v19 =	vld.idx.msk [tilespmem:v6+s25+$0x6600 ss:$0x1], $0xffff  }
0xbf: {  	v16 =	vsel vm0, $0x1, v2;
	v15 =	vadd.f32 $-1.500000000e+01, v15;
	v18 =	vshll.u32 v12, $0x2;
	v10 =	vld.idx.msk [tilespmem:v6+s25+$0x6580 ss:$0x1], $0xffff  }
0xc0: {  	v22 =	vand.u32 $0x7F, v12;
	v21 =	vand.u32 $0x200, v18;
	v18 =	vor.u32 v5, v18;
	v20 =	vld.idx.msk [tilespmem:v6+s25+$0x6500 ss:$0x1], $0xffff  }
0xc1: {  	v24 =	vor.u32 v22, v21;
	v12 =	vor.u32 v12, v21;
	v18 =	vand.u32 $0x3F80, v18;
	v23 =	vld.idx.msk [tilespmem:v6+s25+$0x6480 ss:$0x1], $0xffff  }
0xc2: {  	vm0 =	vlt.f32 v9, v15;
	v25 =	vor.u32 v0, v24;
	v18 =	vor.u32 v22, v18;
	v21 =	vld.idx.msk [tilespmem:v6+s25+$0x6400 ss:$0x1], $0xffff  }
0xc3: {  	v14 =	vadd.s32 v16, v14;
	v15 =	vadd.f32 $1.171875000e-01, v15;
	v12 =	vor.u32 v3, v12;
	v22 =	vld.idx.msk [tilespmem:v6+s25+$0x6380 ss:$0x1], $0xffff  }
0xc4: {  	vm1 =	vgt.s32 v11, $0x0;
	v26 =	vsel vm0, $0xFFFFFFFF, v2;
	v24 =	vor.u32 v4, v24;
	v16 =	vld.idx.msk [tilespmem:v6+s25+$0x6300 ss:$0x1], $0xffff  }
0xc5: {  	v11 =	vnsel vm1, $0x0, v11;
	v13 =	vadd.s32 v13, v26;
	vm0 =	vge.f32 v9, v15;
	v27 =	vld.idx.msk [tilespmem:v6+s25+$0x6000 ss:$0x1], $0xffff  }
0xc6: {  	v11 =	vmin.u32 v11, $0xFF;
	vm1 =	vgt.s32 v14, $0x0;
	v15 =	vsel vm0, $0x1, v2;
	v9 =	vld.idx.msk [tilespmem:v6+s25+$0x6080 ss:$0x1], $0xffff  }
0xc7: {  	v14 =	vnsel vm1, $0x0, v14;
	v13 =	vadd.s32 v15, v13;
	v15 =	vshll.u32 v11, $0x2;
	v26 =	vld.idx.msk [tilespmem:v6+s25+$0x6100 ss:$0x1], $0xffff  }
0xc8: {  	v30 =	vand.u32 $0x7F, v11;
	v29 =	vand.u32 $0x200, v15;
	v15 =	vor.u32 v5, v15;
	v28 =	vld.idx.msk [tilespmem:v6+s25+$0x6180 ss:$0x1], $0xffff  }
0xc9: {  	v32 =	vor.u32 v30, v29;
	v11 =	vor.u32 v11, v29;
	v15 =	vand.u32 $0x3F80, v15;
	v31 =	vld.idx.msk [tilespmem:v6+s25+$0x6200 ss:$0x1], $0xffff  }
0xca: {  	v14 =	vmin.u32 v14, $0xFF;
	v33 =	vor.u32 v0, v32;
	v15 =	vor.u32 v30, v15;
	v29 =	vld.idx.msk [tilespmem:v6+s25+$0x6280 ss:$0x1], $0xffff;
	s25 =	smov.u32 s28  }
0xcb: {  	vm0 =	vgt.s32 v13, $0x0;
	v11 =	vor.u32 v3, v11;
	[tilespmem:v25+s19+$0x0] =	vst.idx.add.f32.msk $0xffff, v27;
	v25 =	vshll.u32 v14, $0x2  }
0xcc: {  	v27 =	vand.u32 $0x7F, v14;
	[tilespmem:v12+s19+$0x0] =	vst.idx.add.f32.msk $0xffff, v9;
	v9 =	vor.u32 v4, v32;
	v12 =	vand.u32 $0x200, v25  }
0xcd: {  	v13 =	vnsel vm0, $0x0, v13;
	[tilespmem:v24+s19+$0x0] =	vst.idx.add.f32.msk $0xffff, v26;
	v24 =	vor.u32 v27, v12;
	v12 =	vor.u32 v14, v12  }
0xce: {  	v13 =	vmin.u32 v13, $0xFF;
	[tilespmem:v18+s19+$0x0] =	vst.idx.add.f32.msk $0xffff, v28;
	v14 =	vor.u32 v0, v24;
	v18 =	vor.u32 v5, v25  }
0xcf: {  	v12 =	vor.u32 v3, v12;
	v25 =	vshll.u32 v13, $0x2;
	[tilespmem:v33+s19+$0x0] =	vst.idx.add.f32.msk $0xffff, v31;
	v18 =	vand.u32 $0x3F80, v18  }
0xd0: {  	v26 =	vand.u32 $0x7F, v13;
	[tilespmem:v11+s19+$0x0] =	vst.idx.add.f32.msk $0xffff, v29;
	v11 =	vor.u32 v4, v24;
	v24 =	vand.u32 $0x200, v25  }
0xd1: {  	[tilespmem:v9+s19+$0x0] =	vst.idx.add.f32.msk $0xffff, v16;
	v9 =	vor.u32 v27, v18;
	v16 =	vor.u32 v26, v24  }
0xd2: {  	v13 =	vor.u32 v13, v24;
	[tilespmem:v15+s19+$0x0] =	vst.idx.add.f32.msk $0xffff, v22;
	v15 =	vor.u32 v0, v16  }
0xd3: {  	v13 =	vor.u32 v3, v13;
	[tilespmem:v14+s19+$0x0] =	vst.idx.add.f32.msk $0xffff, v21;
	v14 =	vor.u32 v5, v25  }
0xd4: {  	[tilespmem:v12+s19+$0x0] =	vst.idx.add.f32.msk $0xffff, v23;
	v12 =	vor.u32 v4, v16;
	v14 =	vand.u32 $0x3F80, v14  }
0xd5: {  	[tilespmem:v11+s19+$0x0] =	vst.idx.add.f32.msk $0xffff, v20;
	v11 =	vor.u32 v26, v14  }
0xd6: {  	[tilespmem:v9+s19+$0x0] =	vst.idx.add.f32.msk $0xffff, v10  }
0xd7: {  	[tilespmem:v15+s19+$0x0] =	vst.idx.add.f32.msk $0xffff, v19  }
.Ltmp2:
0xd8: {  	[tilespmem:v13+s19+$0x0] =	vst.idx.add.f32.msk $0xffff, v17;
	(pc) =	sbr.rel @p0 .LBB2_6-.Ltmp2, $3  }
0xd9: {  	[tilespmem:v12+s19+$0x0] =	vst.idx.add.f32.msk $0xffff, v8  }
0xda: {  	[tilespmem:v11+s19+$0x0] =	vst.idx.add.f32.msk $0xffff, v7;
	_ =	sdelay $0x1  }
0xdb: {  	v7 =	vld.idx.msk [tilespmem:v6+s30+$0xFFFFFF00 ss:$0x1], $0xffff  }
0xdc: {  	_ =	sdelay $0x3  }
0xdd: {  	v8 =	vld.idx.msk [tilespmem:v6+s26+$0xFFFFFE80 ss:$0x1], $0xffff;
	_ =	sdelay $0x3  }
0xde: {  	v9 =	vadd.f32 $1.500000000e+01, v7  }
0xdf: {  	v10 =	vld.idx.msk [tilespmem:v6+s26+$0xFFFFFF80 ss:$0x1], $0xffff;
	v11 =	vadd.f32 $1.500000000e+01, v8  }
0xe0: {  	v12 =	vld.idx.msk [tilespmem:v6+s26+$0x0 ss:$0x1], $0xffff;
	v9 =	vmul.f32 $8.533333770e+00, v9  }
0xe1: {  	v11 =	vmul.f32 $8.533333770e+00, v11  }
0xe2: {  	v9 =	vtrunc.f32 v9  }
0xe3: {  	v11 =	vtrunc.f32 v11;
	v9 =	vcvt.f32.s32 v9  }
0xe4: {  	v13 =	vadd.f32 $1.500000000e+01, v10;
	v11 =	vcvt.f32.s32 v11  }
0xe5: {  	v14 =	vadd.f32 $1.500000000e+01, v12;
	v15 =	vcvt.s32.f32 v9  }
0xe6: {  	v13 =	vmul.f32 $8.533333770e+00, v13;
	v16 =	vcvt.s32.f32 v11  }
0xe7: {  	v14 =	vmul.f32 $8.533333770e+00, v14;
	v15 =	vmul.f32 $1.171875000e-01, v15  }
0xe8: {  	v13 =	vtrunc.f32 v13;
	v16 =	vmul.f32 $1.171875000e-01, v16  }
0xe9: {  	v14 =	vtrunc.f32 v14;
	v13 =	vcvt.f32.s32 v13;
	v15 =	vadd.f32 $-1.500000000e+01, v15  }
0xea: {  	v14 =	vcvt.f32.s32 v14;
	v16 =	vadd.f32 $-1.500000000e+01, v16  }
0xeb: {  	v17 =	vcvt.s32.f32 v13;
	vm0 =	vlt.f32 v7, v15;
	v15 =	vadd.f32 $1.171875000e-01, v15  }
0xec: {  	vm1 =	vlt.f32 v8, v16;
	v16 =	vadd.f32 $1.171875000e-01, v16;
	v18 =	vsel vm0, $0xFFFFFFFF, v2  }
0xed: {  	v19 =	vsel vm1, $0xFFFFFFFF, v2;
	vm7 =	vge.f32 v7, v15;
	v7 =	vmul.f32 $1.171875000e-01, v17  }
0xee: {  	v9 =	vadd.s32 v9, v18;
	v11 =	vadd.s32 v11, v19;
	vm8 =	vge.f32 v8, v16  }
0xef: {  	v8 =	vsel vm7, $0x1, v2;
	v15 =	vsel vm8, $0x1, v2;
	v7 =	vadd.f32 $-1.500000000e+01, v7  }
0xf0: {  	v20 =	vld.idx.msk [tilespmem:v6+s25+$0x6500 ss:$0x1], $0xffff;
	v8 =	vadd.s32 v8, v9;
	v9 =	vcvt.s32.f32 v14;
	v11 =	vadd.s32 v15, v11  }
0xf1: {  	v23 =	vld.idx.msk [tilespmem:v6+s25+$0x6480 ss:$0x1], $0xffff;
	vm13 =	vgt.s32 v8, $0x0;
	vm9 =	vgt.s32 v11, $0x0;
	vm10 =	vlt.f32 v10, v7  }
0xf2: {  	v27 =	vld.idx.msk [tilespmem:v6+s25+$0x6000 ss:$0x1], $0xffff;
	v7 =	vadd.f32 $1.171875000e-01, v7;
	v9 =	vmul.f32 $1.171875000e-01, v9;
	v8 =	vnsel vm13, $0x0, v8  }
0xf3: {  	v28 =	vld.idx.msk [tilespmem:v6+s25+$0x6180 ss:$0x1], $0xffff;
	v11 =	vnsel vm9, $0x0, v11;
	v18 =	vsel vm10, $0xFFFFFFFF, v2;
	v8 =	vmin.u32 v8, $0xFF  }
0xf4: {  	v31 =	vld.idx.msk [tilespmem:v6+s25+$0x6200 ss:$0x1], $0xffff;
	v11 =	vmin.u32 v11, $0xFF;
	v13 =	vadd.s32 v13, v18;
	vm11 =	vge.f32 v10, v7  }
0xf5: {  	v17 =	vld.idx.msk [tilespmem:v6+s25+$0x6680 ss:$0x1], $0xffff;
	v9 =	vadd.f32 $-1.500000000e+01, v9;
	v30 =	vand.u32 $0x7F, v8;
	v18 =	vshll.u32 v11, $0x2  }
0xf6: {  	v16 =	vld.idx.msk [tilespmem:v6+s25+$0x6780 ss:$0x1], $0xffff;
	v10 =	vsel vm11, $0x1, v2;
	v22 =	vand.u32 $0x7F, v11;
	v21 =	vand.u32 $0x200, v18  }
0xf7: {  	v19 =	vld.idx.msk [tilespmem:v6+s25+$0x6600 ss:$0x1], $0xffff;
	v18 =	vor.u32 v5, v18;
	vm12 =	vlt.f32 v12, v9;
	v10 =	vadd.s32 v10, v13  }
0xf8: {  	v15 =	vld.idx.msk [tilespmem:v6+s25+$0x6700 ss:$0x1], $0xffff;
	v9 =	vadd.f32 $1.171875000e-01, v9;
	v24 =	vor.u32 v22, v21;
	v11 =	vor.u32 v11, v21  }
0xf9: {  	v7 =	vld.idx.msk [tilespmem:v6+s25+$0x6580 ss:$0x1], $0xffff;
	v18 =	vand.u32 $0x3F80, v18;
	v26 =	vsel vm12, $0xFFFFFFFF, v2;
	vm15 =	vgt.s32 v10, $0x0  }
0xfa: {  	v13 =	vld.idx.msk [tilespmem:v6+s25+$0x6300 ss:$0x1], $0xffff;
	v25 =	vor.u32 v0, v24;
	v18 =	vor.u32 v22, v18;
	vm14 =	vge.f32 v12, v9  }
0xfb: {  	v21 =	vld.idx.msk [tilespmem:v6+s25+$0x6400 ss:$0x1], $0xffff;
	v11 =	vor.u32 v3, v11;
	v14 =	vadd.s32 v14, v26;
	v12 =	vsel vm14, $0x1, v2  }
0xfc: {  	v9 =	vld.idx.msk [tilespmem:v6+s25+$0x6080 ss:$0x1], $0xffff;
	v10 =	vnsel vm15, $0x0, v10;
	v12 =	vadd.s32 v12, v14;
	v14 =	vshll.u32 v8, $0x2  }
0xfd: {  	v24 =	vor.u32 v4, v24;
	v26 =	vld.idx.msk [tilespmem:v6+s25+$0x6100 ss:$0x1], $0xffff;
	v10 =	vmin.u32 v10, $0xFF;
	v29 =	vand.u32 $0x200, v14  }
0xfe: {  	v22 =	vld.idx.msk [tilespmem:v6+s25+$0x6380 ss:$0x1], $0xffff;
	v14 =	vor.u32 v5, v14;
	vm4 =	vgt.s32 v12, $0x0;
	v32 =	vor.u32 v30, v29  }
0xff: {  	v8 =	vor.u32 v8, v29;
	v14 =	vand.u32 $0x3F80, v14;
	v29 =	vld.idx.msk [tilespmem:v6+s25+$0x6280 ss:$0x1], $0xffff;
	v33 =	vor.u32 v0, v32  }
0x100: {  	v14 =	vor.u32 v30, v14;
	[tilespmem:v25+s19+$0x0] =	vst.idx.add.f32.msk $0xffff, v27;
	v8 =	vor.u32 v3, v8;
	v25 =	vshll.u32 v10, $0x2  }
0x101: {  	v27 =	vand.u32 $0x7F, v10;
	[tilespmem:v11+s19+$0x0] =	vst.idx.add.f32.msk $0xffff, v9;
	v9 =	vor.u32 v4, v32;
	v11 =	vand.u32 $0x200, v25  }
0x102: {  	v12 =	vnsel vm4, $0x0, v12;
	[tilespmem:v24+s19+$0x0] =	vst.idx.add.f32.msk $0xffff, v26;
	v24 =	vor.u32 v27, v11;
	v10 =	vor.u32 v10, v11  }
0x103: {  	v11 =	vmin.u32 v12, $0xFF;
	[tilespmem:v18+s19+$0x0] =	vst.idx.add.f32.msk $0xffff, v28;
	v12 =	vor.u32 v0, v24;
	v18 =	vor.u32 v5, v25  }
0x104: {  	v10 =	vor.u32 v3, v10;
	v25 =	vshll.u32 v11, $0x2;
	v26 =	vand.u32 $0x7F, v11;
	[tilespmem:v33+s19+$0x0] =	vst.idx.add.f32.msk $0xffff, v31  }
0x105: {  	v18 =	vand.u32 $0x3F80, v18;
	[tilespmem:v8+s19+$0x0] =	vst.idx.add.f32.msk $0xffff, v29;
	v8 =	vor.u32 v4, v24;
	v24 =	vand.u32 $0x200, v25  }
0x106: {  	[tilespmem:v9+s19+$0x0] =	vst.idx.add.f32.msk $0xffff, v13;
	v9 =	vor.u32 v27, v18;
	v13 =	vor.u32 v26, v24  }
0x107: {  	v11 =	vor.u32 v11, v24;
	[tilespmem:v14+s19+$0x0] =	vst.idx.add.f32.msk $0xffff, v22;
	v14 =	vor.u32 v0, v13  }
0x108: {  	v11 =	vor.u32 v3, v11;
	[tilespmem:v12+s19+$0x0] =	vst.idx.add.f32.msk $0xffff, v21;
	v12 =	vor.u32 v5, v25  }
0x109: {  	[tilespmem:v10+s19+$0x0] =	vst.idx.add.f32.msk $0xffff, v23;
	v10 =	vor.u32 v4, v13;
	v12 =	vand.u32 $0x3F80, v12  }
0x10a: {  	[tilespmem:v8+s19+$0x0] =	vst.idx.add.f32.msk $0xffff, v20;
	v8 =	vor.u32 v26, v12  }
0x10b: {  	[tilespmem:v9+s19+$0x0] =	vst.idx.add.f32.msk $0xffff, v7  }
0x10c: {  	[tilespmem:v14+s19+$0x0] =	vst.idx.add.f32.msk $0xffff, v19  }
0x10d: {  	[tilespmem:v11+s19+$0x0] =	vst.idx.add.f32.msk $0xffff, v17  }
0x10e: {  	[tilespmem:v10+s19+$0x0] =	vst.idx.add.f32.msk $0xffff, v15  }
0x10f: {  	s31 =	simm.s32 $0x190;
	[tilespmem:v8+s19+$0x0] =	vst.idx.add.f32.msk $0xffff, v16  }
0x110: {  	[hbm4b:s7+s2] =	stream.linear.scatter [tilespmem:s19], [sflag:$0x4], $0x4000, $0x38;
	[tilespmem:$0x17C00] =	vst v63  }
0x111: {  	v9 =	vld.idx.msk [tilespmem:v6+s31+$0xFFFFFF00 ss:$0x1], $0xffff  }
0x112: {  	v10 =	vld.idx.msk [tilespmem:v6+s31+$0xFFFFFF80 ss:$0x1], $0xffff  }
0x113: {  	v11 =	vld.idx.msk [tilespmem:v6+s31+$0xFFFFFE80 ss:$0x1], $0xffff;
	_ =	sdelay $0x2  }
0x114: {  	v7 =	vadd.f32 $1.500000000e+01, v9  }
0x115: {  	v8 =	vadd.f32 $1.500000000e+01, v10  }
0x116: {  	v12 =	vadd.f32 $1.500000000e+01, v11;
	v7 =	vmul.f32 $8.533333770e+00, v7  }
0x117: {  	v8 =	vmul.f32 $8.533333770e+00, v8  }
0x118: {  	v12 =	vmul.f32 $8.533333770e+00, v12;
	v7 =	vtrunc.f32 v7  }
0x119: {  	v21 =	vld.idx.msk [tilespmem:v6+s31+$0x0 ss:$0x1], $0xffff;
	v13 =	vcvt.f32.s32 v7;
	v7 =	vtrunc.f32 v8  }
0x11a: {  	v8 =	vtrunc.f32 v12;
	v14 =	vcvt.f32.s32 v7  }
0x11b: {  	v12 =	vcvt.f32.s32 v8;
	v7 =	vcvt.s32.f32 v13  }
0x11c: {  	v8 =	vcvt.s32.f32 v14  }
0x11d: {  	v15 =	vcvt.s32.f32 v12;
	v7 =	vmul.f32 $1.171875000e-01, v7  }
0x11e: {  	v18 =	vadd.f32 $1.500000000e+01, v21;
	v8 =	vmul.f32 $1.171875000e-01, v8  }
0x11f: {  	v15 =	vmul.f32 $1.171875000e-01, v15;
	v16 =	vadd.f32 $-1.500000000e+01, v7  }
0x120: {  	v18 =	vmul.f32 $8.533333770e+00, v18;
	v7 =	vor.u32 $0x4100, v0;
	v17 =	vadd.f32 $-1.500000000e+01, v8  }
0x121: {  	v8 =	vor.u32 $0x4080, v0;
	v15 =	vadd.f32 $-1.500000000e+01, v15;
	vm5 =	vlt.f32 v9, v16  }
0x122: {  	v16 =	vadd.f32 $1.171875000e-01, v16;
	v19 =	vsel vm5, $0xFFFFFFFF, v2;
	v20 =	vadd.f32 $1.171875000e-01, v17  }
0x123: {  	vm6 =	vlt.f32 v11, v15;
	v15 =	vadd.f32 $1.171875000e-01, v15;
	vm8 =	vlt.f32 v10, v17  }
0x124: {  	vm7 =	vge.f32 v9, v16;
	v9 =	vsel vm6, $0xFFFFFFFF, v2;
	v16 =	vtrunc.f32 v18  }
0x125: {  	v17 =	vsel vm8, $0xFFFFFFFF, v2;
	v9 =	vadd.s32 v12, v9;
	vm2 =	vge.f32 v11, v15  }
0x126: {  	v22 =	vcvt.f32.s32 v16;
	v16 =	vadd.s32 v13, v19;
	vm9 =	vge.f32 v10, v20  }
0x127: {  	v14 =	vadd.s32 v14, v17;
	v19 =	vsel vm7, $0x1, v2;
	v11 =	vsel vm2, $0x1, v2  }
0x128: {  	v34 =	vld [tilespmem:s11+$0xFFFFFC80];
	v15 =	vsel vm9, $0x1, v2;
	v23 =	vadd.s32 v19, v16;
	v10 =	vadd.s32 v11, v9  }
0x129: {  	v37 =	vld [tilespmem:s11+$0xFFFFFD00];
	v13 =	vcvt.s32.f32 v22;
	v9 =	vor.u32 $0x4000, v0;
	v24 =	vadd.s32 v15, v14  }
0x12a: {  	v12 =	vld [tilespmem:s11+$0x300];
	vm11 =	vgt.s32 v23, $0x0;
	vm10 =	vgt.s32 v10, $0x0;
	vm12 =	vgt.s32 v24, $0x0  }
0x12b: {  	v16 =	vld [tilespmem:s11+$0x100];
	v23 =	vnsel vm11, $0x0, v23;
	v10 =	vnsel vm10, $0x0, v10;
	v17 =	vmul.f32 $1.171875000e-01, v13  }
0x12c: {  	v11 =	vld [tilespmem:s11+$0x380];
	v24 =	vnsel vm12, $0x0, v24;
	v18 =	vmin.u32 v10, $0xFF;
	v10 =	vor.u32 $0x4180, v0  }
0x12d: {  	v14 =	vld [tilespmem:s11+$0x200];
	v38 =	vmin.u32 v24, $0xFF;
	v20 =	vadd.f32 $-1.500000000e+01, v17;
	v17 =	vshll.u32 v18, $0x2  }
0x12e: {  	v15 =	vld [tilespmem:s11+$0x180];
	v25 =	vand.u32 $0x7F, v18;
	v39 =	vshll.u32 v38, $0x2;
	v19 =	vand.u32 $0x200, v17  }
0x12f: {  	v13 =	vld [tilespmem:s11+$0x280];
	v32 =	vand.u32 $0x7F, v38;
	v40 =	vand.u32 $0x200, v39;
	v26 =	vor.u32 v25, v19  }
0x130: {  	v19 =	vor.u32 v18, v19;
	v18 =	vor.u32 v10, v17;
	v17 =	vld [tilespmem:s11+$0x80];
	v29 =	vadd.f32 $1.171875000e-01, v20  }
0x131: {  	vm13 =	vlt.f32 v21, v20;
	v20 =	vld [tilespmem:s11+$0xFFFFFF00];
	v33 =	vor.u32 v32, v40;
	v27 =	vor.u32 v9, v26  }
0x132: {  	v28 =	vand.u32 $0x7F80, v18;
	v18 =	vld [tilespmem:s11+$0x0];
	v62 =	vor.u32 v8, v19;
	v63 =	vor.u32 v7, v26  }
0x133: {  	v26 =	vmin.u32 v23, $0xFF;
	v30 =	vsel vm13, $0xFFFFFFFF, v2;
	v23 =	vor.u32 v25, v28;
	v28 =	vld [tilespmem:s11+$0xFFFFFC00]  }
0x134: {  	v19 =	vld [tilespmem:s11+$0xFFFFFF80];
	vm14 =	vge.f32 v21, v29;
	v25 =	vshll.u32 v26, $0x2;
	v30 =	vadd.s32 v22, v30  }
0x135: {  	v21 =	vld [tilespmem:s11+$0xFFFFFE80];
	v31 =	vand.u32 $0x7F, v26;
	v29 =	vsel vm14, $0x1, v2;
	v22 =	vand.u32 $0x200, v25  }
0x136: {  	v24 =	vor.u32 v10, v25;
	v25 =	vld [tilespmem:s11+$0xFFFFFD80];
	v35 =	vor.u32 v31, v22;
	v29 =	vadd.s32 v29, v30  }
0x137: {  	v36 =	vor.u32 v26, v22;
	v22 =	vld [tilespmem:s11+$0xFFFFFE00];
	v24 =	vand.u32 $0x7F80, v24;
	vm15 =	vgt.s32 v29, $0x0  }
0x138: {  	v26 =	vor.u32 v9, v35;
	v24 =	vor.u32 v31, v24;
	[tilespmem:v27+s19+$0x0] =	vst.idx.add.f32.msk $0xffff, v28;
	v27 =	vnsel vm15, $0x0, v29  }
0x139: {  	v30 =	vor.u32 v8, v36;
	v31 =	vor.u32 v38, v40;
	[tilespmem:v62+s19+$0x0] =	vst.idx.add.f32.msk $0xffff, v34;
	v27 =	vmin.u32 v27, $0xFF  }
0x13a: {  	s26 =	smov.u32 s11;
	s25 =	simm.s32 $0xE40;
	v29 =	vor.u32 v7, v35;
	v34 =	vor.u32 v10, v39;
	[tilespmem:v63+s19+$0x0] =	vst.idx.add.f32.msk $0xffff, v37;
	v28 =	vshll.u32 v27, $0x2  }
.LBB2_8:
0x13b: {  	p0 =	sne.s32 s25, $0xC640  }
0x13c: {  	[tilespmem:v23+s19+$0x0] =	vst.idx.add.f32.msk $0xffff, v25;
	v23 =	vor.u32 v9, v33;
	v25 =	vand.u32 $0x7F80, v34;
	s26 =	sadd.s32 $0x800, s26;
	s28 =	smov.u32 s25;
	s25 =	sadd.s32 $0x800, s25  }
0x13d: {  	[tilespmem:v26+s19+$0x0] =	vst.idx.add.f32.msk $0xffff, v22;
	v22 =	vor.u32 v8, v31;
	v25 =	vor.u32 v32, v25  }
0x13e: {  	v26 =	vand.u32 $0x200, v28;
	[tilespmem:v30+s19+$0x0] =	vst.idx.add.f32.msk $0xffff, v21;
	v21 =	vor.u32 v7, v33;
	v30 =	vand.u32 $0x7F, v27  }
0x13f: {  	[tilespmem:v29+s19+$0x0] =	vst.idx.add.f32.msk $0xffff, v20;
	v20 =	vor.u32 v30, v26;
	v26 =	vor.u32 v27, v26  }
0x140: {  	[tilespmem:v24+s19+$0x0] =	vst.idx.add.f32.msk $0xffff, v19;
	v19 =	vor.u32 v9, v20  }
0x141: {  	[tilespmem:v23+s19+$0x0] =	vst.idx.add.f32.msk $0xffff, v18;
	v18 =	vor.u32 v8, v26;
	v23 =	vor.u32 v10, v28  }
0x142: {  	[tilespmem:v22+s19+$0x0] =	vst.idx.add.f32.msk $0xffff, v17;
	v17 =	vor.u32 v7, v20;
	v20 =	vand.u32 $0x7F80, v23  }
0x143: {  	s28 =	sshra.s32 s28, $0x2;
	[tilespmem:v21+s19+$0x0] =	vst.idx.add.f32.msk $0xffff, v16;
	v16 =	vor.u32 v30, v20  }
0x144: {  	[tilespmem:v25+s19+$0x0] =	vst.idx.add.f32.msk $0xffff, v15  }
0x145: {  	[tilespmem:v19+s19+$0x0] =	vst.idx.add.f32.msk $0xffff, v14  }
0x146: {  	[tilespmem:v18+s19+$0x0] =	vst.idx.add.f32.msk $0xffff, v13  }
0x147: {  	[tilespmem:v17+s19+$0x0] =	vst.idx.add.f32.msk $0xffff, v12  }
0x148: {  	[tilespmem:v16+s19+$0x0] =	vst.idx.add.f32.msk $0xffff, v11  }
0x149: {  	v11 =	vld.idx.msk [tilespmem:v6+s28+$0xFFFFFF00 ss:$0x1], $0xffff  }
0x14a: {  	v14 =	vld.idx.msk [tilespmem:v6+s28+$0xFFFFFF80 ss:$0x1], $0xffff  }
0x14b: {  	v13 =	vld.idx.msk [tilespmem:v6+s28+$0xFFFFFE80 ss:$0x1], $0xffff;
	_ =	sdelay $0x3  }
0x14c: {  	v12 =	vadd.f32 $1.500000000e+01, v11  }
0x14d: {  	v15 =	vadd.f32 $1.500000000e+01, v14  }
0x14e: {  	v16 =	vadd.f32 $1.500000000e+01, v13;
	v12 =	vmul.f32 $8.533333770e+00, v12  }
0x14f: {  	v15 =	vmul.f32 $8.533333770e+00, v15  }
0x150: {  	v16 =	vmul.f32 $8.533333770e+00, v16;
	v12 =	vtrunc.f32 v12  }
0x151: {  	v17 =	vcvt.f32.s32 v12;
	v12 =	vtrunc.f32 v15;
	v23 =	vld.idx.msk [tilespmem:v6+s28+$0x0 ss:$0x1], $0xffff  }
0x152: {  	v15 =	vtrunc.f32 v16;
	v18 =	vcvt.f32.s32 v12  }
0x153: {  	v15 =	vcvt.f32.s32 v15;
	v12 =	vcvt.s32.f32 v17  }
0x154: {  	v16 =	vcvt.s32.f32 v18  }
0x155: {  	v19 =	vcvt.s32.f32 v15;
	v12 =	vmul.f32 $1.171875000e-01, v12  }
0x156: {  	v16 =	vmul.f32 $1.171875000e-01, v16  }
0x157: {  	v19 =	vmul.f32 $1.171875000e-01, v19;
	v12 =	vadd.f32 $-1.500000000e+01, v12  }
0x158: {  	v20 =	vadd.f32 $1.500000000e+01, v23;
	v16 =	vadd.f32 $-1.500000000e+01, v16  }
0x159: {  	v19 =	vadd.f32 $-1.500000000e+01, v19;
	vm0 =	vlt.f32 v11, v12;
	v12 =	vadd.f32 $1.171875000e-01, v12  }
0x15a: {  	v20 =	vmul.f32 $8.533333770e+00, v20;
	v21 =	vsel vm0, $0xFFFFFFFF, v2;
	v22 =	vadd.f32 $1.171875000e-01, v16  }
0x15b: {  	vm1 =	vlt.f32 v13, v19;
	v19 =	vadd.f32 $1.171875000e-01, v19;
	vm0 =	vge.f32 v11, v12  }
0x15c: {  	v24 =	vsel vm1, $0xFFFFFFFF, v2;
	vm1 =	vlt.f32 v14, v16;
	v16 =	vtrunc.f32 v20;
	v11 =	vld [tilespmem:s26+$0x380]  }
0x15d: {  	v15 =	vadd.s32 v15, v24;
	vm2 =	vge.f32 v13, v19;
	v24 =	vcvt.f32.s32 v16;
	v12 =	vld [tilespmem:s26+$0x300]  }
0x15e: {  	v20 =	vadd.s32 v17, v21;
	v16 =	vsel vm2, $0x1, v2;
	vm2 =	vge.f32 v14, v22;
	v13 =	vld [tilespmem:s26+$0x280]  }
0x15f: {  	v17 =	vadd.s32 v16, v15;
	v19 =	vsel vm2, $0x1, v2;
	v21 =	vcvt.s32.f32 v24;
	v14 =	vld [tilespmem:s26+$0x200]  }
0x160: {  	v22 =	vsel vm1, $0xFFFFFFFF, v2;
	vm2 =	vgt.s32 v17, $0x0;
	v15 =	vld [tilespmem:s26+$0x180]  }
0x161: {  	v18 =	vadd.s32 v18, v22;
	v25 =	vnsel vm2, $0x0, v17;
	v21 =	vmul.f32 $1.171875000e-01, v21;
	v16 =	vld [tilespmem:s26+$0x100]  }
0x162: {  	v26 =	vadd.s32 v19, v18;
	v22 =	vmin.u32 v25, $0xFF;
	v17 =	vld [tilespmem:s26+$0x80]  }
0x163: {  	v25 =	vsel vm0, $0x1, v2;
	v27 =	vadd.f32 $-1.500000000e+01, v21;
	v21 =	vshll.u32 v22, $0x2;
	v18 =	vld [tilespmem:s26+$0x0]  }
0x164: {  	v25 =	vadd.s32 v25, v20;
	v29 =	vand.u32 $0x7F, v22;
	v28 =	vand.u32 $0x200, v21;
	v19 =	vld [tilespmem:s26+$0xFFFFFF80]  }
0x165: {  	v30 =	vor.u32 v29, v28;
	v22 =	vor.u32 v22, v28;
	v28 =	vor.u32 v10, v21;
	v20 =	vld [tilespmem:s26+$0xFFFFFF00]  }
0x166: {  	vm0 =	vgt.s32 v25, $0x0;
	v31 =	vor.u32 v9, v30;
	v28 =	vand.u32 $0x7F80, v28;
	v21 =	vld [tilespmem:s26+$0xFFFFFE80]  }
0x167: {  	vm1 =	vgt.s32 v26, $0x0;
	v33 =	vadd.f32 $1.171875000e-01, v27;
	v34 =	vor.u32 v8, v22;
	v32 =	vld [tilespmem:s26+$0xFFFFFC00]  }
0x168: {  	v25 =	vnsel vm0, $0x0, v25;
	vm0 =	vlt.f32 v23, v27;
	v36 =	vor.u32 v7, v30;
	v35 =	vld [tilespmem:s26+$0xFFFFFC80]  }
0x169: {  	v27 =	vmin.u32 v25, $0xFF;
	v30 =	vsel vm0, $0xFFFFFFFF, v2;
	vm0 =	vge.f32 v23, v33;
	v22 =	vld [tilespmem:s26+$0xFFFFFE00]  }
0x16a: {  	v23 =	vor.u32 v29, v28;
	v28 =	vshll.u32 v27, $0x2;
	v33 =	vsel vm0, $0x1, v2;
	v25 =	vld [tilespmem:s26+$0xFFFFFD80]  }
0x16b: {  	v24 =	vadd.s32 v24, v30;
	v30 =	vand.u32 $0x7F, v27;
	v29 =	vand.u32 $0x200, v28;
	v37 =	vld [tilespmem:s26+$0xFFFFFD00]  }
0x16c: {  	v26 =	vnsel vm1, $0x0, v26;
	v27 =	vor.u32 v27, v29;
	[tilespmem:v31+s19+$0x0] =	vst.idx.add.f32.msk $0xffff, v32;
	v32 =	vor.u32 v30, v29  }
0x16d: {  	v38 =	vmin.u32 v26, $0xFF;
	v28 =	vor.u32 v10, v28;
	[tilespmem:v34+s19+$0x0] =	vst.idx.add.f32.msk $0xffff, v35;
	v26 =	vor.u32 v9, v32  }
.Ltmp3:
0x16e: {  	v29 =	vadd.s32 v33, v24;
	v24 =	vand.u32 $0x7F80, v28;
	v28 =	vshll.u32 v38, $0x2;
	(pc) =	sbr.rel @p0 .LBB2_8-.Ltmp3, $4  }
0x16f: {  	vm0 =	vgt.s32 v29, $0x0;
	v24 =	vor.u32 v30, v24;
	v33 =	vand.u32 $0x200, v28  }
0x170: {  	v30 =	vor.u32 v8, v27;
	v29 =	vnsel vm0, $0x0, v29;
	v31 =	vor.u32 v38, v33  }
0x171: {  	v27 =	vmin.u32 v29, $0xFF;
	v29 =	vor.u32 v7, v32;
	v32 =	vand.u32 $0x7F, v38  }
0x172: {  	v34 =	vor.u32 v10, v28;
	v33 =	vor.u32 v32, v33;
	v28 =	vshll.u32 v27, $0x2;
	[tilespmem:v36+s19+$0x0] =	vst.idx.add.f32.msk $0xffff, v37  }
0x173: {  	_ =	sdelay $0x3  }
0x174: {  	[tilespmem:v23+s19+$0x0] =	vst.idx.add.f32.msk $0xffff, v25;
	v56 =	vor.u32 v9, v33  }
0x175: {  	v57 =	vand.u32 $0x7F80, v34;
	v58 =	vor.u32 v8, v31;
	[tilespmem:v26+s19+$0x0] =	vst.idx.add.f32.msk $0xffff, v22  }
0x176: {  	v59 =	vor.u32 v7, v33;
	v60 =	vand.u32 $0x200, v28;
	v61 =	vand.u32 $0x7F, v27;
	[tilespmem:v30+s19+$0x0] =	vst.idx.add.f32.msk $0xffff, v21  }
0x177: {  	v25 =	vor.u32 v32, v57;
	v62 =	vor.u32 v61, v60;
	[tilespmem:v29+s19+$0x0] =	vst.idx.add.f32.msk $0xffff, v20  }
0x178: {  	v26 =	vor.u32 v27, v60;
	v63 =	vor.u32 v9, v62;
	[tilespmem:v24+s19+$0x0] =	vst.idx.add.f32.msk $0xffff, v19  }
0x179: {  	v10 =	vor.u32 v10, v28;
	v8 =	vor.u32 v8, v26;
	[tilespmem:v56+s19+$0x0] =	vst.idx.add.f32.msk $0xffff, v18  }
0x17a: {  	v10 =	vand.u32 $0x7F80, v10;
	v7 =	vor.u32 v7, v62;
	[tilespmem:v58+s19+$0x0] =	vst.idx.add.f32.msk $0xffff, v17  }
0x17b: {  	v10 =	vor.u32 v61, v10;
	[tilespmem:v59+s19+$0x0] =	vst.idx.add.f32.msk $0xffff, v16  }
0x17c: {  	[tilespmem:v25+s19+$0x0] =	vst.idx.add.f32.msk $0xffff, v15  }
0x17d: {  	[tilespmem:v63+s19+$0x0] =	vst.idx.add.f32.msk $0xffff, v14  }
0x17e: {  	[tilespmem:v8+s19+$0x0] =	vst.idx.add.f32.msk $0xffff, v13  }
0x17f: {  	[tilespmem:v7+s19+$0x0] =	vst.idx.add.f32.msk $0xffff, v12  }
0x180: {  	[tilespmem:v10+s19+$0x0] =	vst.idx.add.f32.msk $0xffff, v11  }
0x181: {  	s24 =	sadd.s32 $0x1, s24;
	_ =	swait.ge [sflag:s21], $0x4000  }
0x182: {  	p0 =	sne.s32 s24, s9;
	[sflag:s21] =	ssyncset.done $0x0  }
.Ltmp4:
0x183: {  	[sflag:s21] =	ssyncadd.s32 $0xFFFFC000;
	(pc) =	sbr.rel @p0 .LBB2_1-.Ltmp4, $4  }
0x184: {  	[hbm4b:s8+s2] =	stream.linear.scatter [tilespmem:s22], [sflag:$0x5], $0x4000, $0x38;
	[tilespmem:$0x17C00] =	vst v63  }
0x185: {  	_ =	swait.ge [sflag:s23], $0x4000  }
0x186: {  	[sflag:s23] =	ssyncset.done $0x0  }
0x187: {  	[sflag:s23] =	ssyncadd.s32 $0xFFFFC000  }
0x188: {  	_ =	sfence.sel $0x180000  }
0x189: {  	[bflag:$0x0] =	sbarrier.arrive $0xFFFF  }
0x18a: {  	p0 =	sne.s32 s1, $0x0;
	_ =	strace $0x90000047  }
0x18b: {  	s0 =	sadd.s32 @!p0 $0x100000, s0;
	[bflag:$0x2] =	sbarrier.arrive $0xFFFF  }
0x18c: {  	[sflag:s0] =	ssyncadd.tile.s32 @!p0 $0x1;
	_ =	shalt  }
.Lfunc_end2:
_tile_overlayer_lowered:
.L_overlay_start_2:
0x18d: {  	(tag) =	ssettag $0x2  }
0x18e: {  	s0 =	rddreg [dreg:$0x0];
	s2 =	stileid.u32  }
0x18f: {  	s1 =	rddreg [dreg:$0x1];
	p0 =	sne.s32 s2, $0x0  }
0x190: {  	s3 =	rddreg [dreg:$0x2];
	[bflag:$0x3] =	sbarrier.arrive $0xFFFF;
	s2 =	simm.s32 @!p0 $0x1C05  }
0x191: {  	[timem:s3], [sflag:s2] =	dma.local @!p0 [hbm:s0], s1  }
0x192: {  	s0 =	simm.s32 @!p0 $0x5  }
0x193: {  	_ =	swait.ge @!p0 [sflag:s0], s1  }
0x194: {  	s1 =	ssub.s32 @!p0 $0x0, s1;
	[sflag:s0] =	ssyncset.done @!p0 $0x0  }
0x195: {  	[sflag:s0] =	ssyncadd.s32 @!p0 s1  }
0x196: {  	[bflag:$0x3] =	sbarrier.arrive $0xFFFF  }
0x197: {  	_ =	shalt  }

</sc_bundles>
